<compile_context>
chip_gen: v7x
topology: tpu7x:2x2x1
jax: 0.10.2.dev20260603
libtpu: 0.0.44.dev20260713+nightly
codegen_flags: <defaults>
</compile_context>

<pallas_src>
import functools

import jax
import jax.numpy as jnp
from jax import lax
from jax.experimental import pallas as pl
from jax.experimental.pallas import tpu as pltpu
from jax.experimental.pallas import tpu_sc as plsc

D_MODEL = 1024
MAX_TIME = 4096
N_KINDS = 2
NC, NS, L = 2, 16, 16
NW = NC * NS
CH = 16
NB = 4
TR = 1024


def _combine_table(time_emb, view_emb, kind_emb):
    nblk = MAX_TIME // TR

    def body(te, ve, ke, out):
        base = te[...] + ve[...]
        out[0] = base + ke[0:1, :]
        out[1] = base + ke[1:2, :]

    ct3 = pl.pallas_call(
        body,
        grid=(nblk,),
        in_specs=[
            pl.BlockSpec((TR, D_MODEL), lambda i: (i, 0)),
            pl.BlockSpec((1, D_MODEL), lambda i: (0, 0)),
            pl.BlockSpec((N_KINDS, D_MODEL), lambda i: (0, 0)),
        ],
        out_specs=pl.BlockSpec((N_KINDS, TR, D_MODEL), lambda i: (0, i, 0)),
        out_shape=jax.ShapeDtypeStruct((N_KINDS, MAX_TIME, D_MODEL),
                                       jnp.float32),
    )(time_emb, view_emb, kind_emb)
    return ct3.reshape(N_KINDS * MAX_TIME, D_MODEL)


def _gather_kernel(n_tok: int):
    tpw = n_tok // NW
    nch = tpw // CH

    mesh = plsc.VectorSubcoreMesh(core_axis_name="c", subcore_axis_name="s")

    scratch = [
        pltpu.VMEM((nch, CH), jnp.int32),
        pltpu.VMEM((nch, CH), jnp.int32),
    ]
    scratch += [pltpu.VMEM((CH, D_MODEL), jnp.float32) for _ in range(NB)]
    scratch += [pltpu.SemaphoreType.DMA for _ in range(2 * NB)]

    @functools.partial(
        pl.kernel,
        mesh=mesh,
        out_type=jax.ShapeDtypeStruct((n_tok, D_MODEL), jnp.float32),
        scratch_types=scratch,
    )
    def k(t_hbm, kind_hbm, ct_hbm, out_hbm, idx_v, kind_v, *bufs_and_sems):
        bufs = bufs_and_sems[:NB]
        gsem = bufs_and_sems[NB:2 * NB]
        wsem = bufs_and_sems[2 * NB:]

        wid = lax.axis_index("s") * NC + lax.axis_index("c")
        base_row = wid * nch

        pltpu.sync_copy(t_hbm.at[pl.ds(base_row, nch)], idx_v)
        pltpu.sync_copy(kind_hbm.at[pl.ds(base_row, nch)], kind_v)

        zero = jnp.zeros((L,), jnp.int32)
        def fuse_row(r, _):
            for g in range(CH // L):
                sl = pl.ds(g * L, L)
                tt = jnp.minimum(jnp.maximum(idx_v[r, sl], zero),
                                 jnp.full((L,), MAX_TIME - 1, jnp.int32))
                kk = jnp.minimum(jnp.maximum(kind_v[r, sl], zero),
                                 jnp.full((L,), N_KINDS - 1, jnp.int32))
                idx_v[r, sl] = tt + kk * MAX_TIME
            return 0
        for r in range(NB - 1):
            fuse_row(r, 0)

        def gather(c, b):
            return pltpu.async_copy(ct_hbm.at[idx_v.at[c]], bufs[b], gsem[b])

        def wb_start(c, b):
            return pltpu.async_copy(
                bufs[b], out_hbm.at[pl.ds(wid * tpw + c * CH, CH)], wsem[b])

        def wb_wait(c, b):
            pltpu.make_async_copy(
                bufs[b], out_hbm.at[pl.ds(wid * tpw + c * CH, CH)],
                wsem[b]).wait()

        for c in range(NB - 1):
            gather(c, c)

        def process(c, b):
            pltpu.make_async_copy(
                ct_hbm.at[idx_v.at[c]], bufs[b], gsem[b]).wait()
            wb_start(c, b)

            b_next = (b + NB - 1) % NB

            @pl.when(c + NB - 1 < nch)
            def _():
                fuse_row(c + NB - 1, 0)

                @pl.when(c >= 1)
                def _():
                    wb_wait(c - 1, b_next)
                gather(c + NB - 1, b_next)

        def outer(co, _):
            for b in range(NB):
                process(co * NB + b, b)
            return 0

        lax.fori_loop(0, nch // NB, outer, 0, unroll=False)

        for i in range(NB):
            c = nch - NB + i
            wb_wait(c, c % NB)

    return k


def kernel(t, kind_id, view_id, time_emb, view_emb, kind_emb):
    del view_id
    b, s = t.shape
    n_tok = b * s
    t2 = t.reshape(n_tok // CH, CH).astype(jnp.int32)
    k2 = kind_id.reshape(n_tok // CH, CH).astype(jnp.int32)
    ct = _combine_table(time_emb, view_emb, kind_emb)
    out = _gather_kernel(n_tok)(t2, k2, ct)
    return out.reshape(b, s, D_MODEL)

# --- scband reference (transcript-rebuilt; emitter-appended) ---
"""Pipeline reference for scband-tviembedder-17386027614243 (READ-ONLY COPY).

The authoritative reference and input builder live on the scoring server;
editing this copy changes nothing except your own understanding.
"""

import jax, jax.numpy as jnp
import numpy as np

D_MODEL = 1024
MAX_TIME = 4096
MAX_VIEWS = 1
N_KINDS = 2
B, S = 4, 8192

def setup_inputs(seed: int = 0) -> dict:
    key = jax.random.key(seed)
    k1, k2, k3, k4, k5, k6 = jax.random.split(key, 6)
    t = jax.random.randint(k1, (B, S), 0, MAX_TIME)
    kind_id = jax.random.randint(k2, (B, S), 0, N_KINDS)
    view_id = jax.random.randint(k3, (B, S), 0, MAX_VIEWS)
    time_emb = jax.random.normal(k4, (MAX_TIME, D_MODEL), dtype=jnp.float32) * 0.02
    view_emb = jax.random.normal(k5, (MAX_VIEWS, D_MODEL), dtype=jnp.float32) * 0.02
    kind_emb = jax.random.normal(k6, (N_KINDS, D_MODEL), dtype=jnp.float32) * 0.02
    return {"t": t, "kind_id": kind_id, "view_id": view_id,
            "time_emb": time_emb, "view_emb": view_emb, "kind_emb": kind_emb}

def reference(t, kind_id, view_id, time_emb, view_emb, kind_emb):
    # Faithful batched version of TVIEmbedder.make_time_token:
    # tok = time_emb.weight[t] + view_emb.weight[view_id] + kind_emb.weight[kind_id]
    tok = (jnp.take(time_emb, t, axis=0)
           + jnp.take(view_emb, view_id, axis=0)
           + jnp.take(kind_emb, kind_id, axis=0))
    return tok

if __name__ == "__main__":
    import jax
    _d = setup_inputs()
    print(jax.jit(kernel)(*tuple(_d.values())))

</pallas_src>

<mosaic_0001>
#map = affine_map<(d0, d1) -> (0, 0)>
module attributes {stable_mosaic.version = 14 : i64} {
  func.func @k(%arg0: i32, %arg1: i32, %arg2: memref<2048x16xi32, #tpu.memory_space<hbm>>, %arg3: memref<2048x16xi32, #tpu.memory_space<hbm>>, %arg4: memref<8192x1024xf32, #tpu.memory_space<hbm>>, %arg5: memref<32768x1024xf32, #tpu.memory_space<hbm>>, %arg6: memref<64x16xi32, #tpu.memory_space<vmem>>, %arg7: memref<64x16xi32, #tpu.memory_space<vmem>>, %arg8: memref<16x1024xf32, #tpu.memory_space<vmem>>, %arg9: memref<16x1024xf32, #tpu.memory_space<vmem>>, %arg10: memref<16x1024xf32, #tpu.memory_space<vmem>>, %arg11: memref<16x1024xf32, #tpu.memory_space<vmem>>, %arg12: memref<!tpu.dma_semaphore, #tpu.memory_space<semaphore_mem>>, %arg13: memref<!tpu.dma_semaphore, #tpu.memory_space<semaphore_mem>>, %arg14: memref<!tpu.dma_semaphore, #tpu.memory_space<semaphore_mem>>, %arg15: memref<!tpu.dma_semaphore, #tpu.memory_space<semaphore_mem>>, %arg16: memref<!tpu.dma_semaphore, #tpu.memory_space<semaphore_mem>>, %arg17: memref<!tpu.dma_semaphore, #tpu.memory_space<semaphore_mem>>, %arg18: memref<!tpu.dma_semaphore, #tpu.memory_space<semaphore_mem>>, %arg19: memref<!tpu.dma_semaphore, #tpu.memory_space<semaphore_mem>>) attributes {dimension_semantics = [#tpu.dimension_semantics<core_parallel>, #tpu.dimension_semantics<subcore_parallel>], iteration_bounds = array<i64: 2, 16>, scalar_prefetch = 0 : i64, scratch_operands = 14 : i64, tpu.core_type = #tpu.core_type<sc_vector_subcore>, window_params = [{transform_indices = #map}, {transform_indices = #map}, {transform_indices = #map}, {transform_indices = #map}]} {
    %mul3A = arith.constant 2 : i32
    %mul3A_0 = arith.muli %arg1, %mul3A : i32
    %add3A = arith.addi %mul3A_0, %arg0 : i32
    %mul3A_1 = arith.constant 64 : i32
    %mul3A_2 = arith.muli %add3A, %mul3A_1 : i32
    "tpu.region"() ({
      %run_scoped3A = tpu.sem_alloc : memref<!tpu.dma_semaphore, #tpu.memory_space<semaphore_mem>>
      %dma_start3A_141 = arith.constant 0 : i32
      %dma_start3A_142 = tpu.memref_slice %arg2[%mul3A_2, %dma_start3A_141] : memref<2048x16xi32, #tpu.memory_space<hbm>> -> memref<64x16xi32, #tpu.memory_space<hbm>>
      %dma_start3A_143 = arith.constant 0 : i32
      %dma_start3A_144 = tpu.memref_slice %arg2[%mul3A_2, %dma_start3A_143] : memref<2048x16xi32, #tpu.memory_space<hbm>> -> memref<64x16xi32, #tpu.memory_space<hbm>>
      tpu.enqueue_dma source(%dma_start3A_144 : memref<64x16xi32, #tpu.memory_space<hbm>>) target(%arg6 : memref<64x16xi32, #tpu.memory_space<vmem>>) target_semaphore(%run_scoped3A : memref<!tpu.dma_semaphore, #tpu.memory_space<semaphore_mem>>)
      %dma_wait3A_145 = arith.constant 0 : i32
      %dma_wait3A_146 = tpu.memref_slice %arg2[%mul3A_2, %dma_wait3A_145] : memref<2048x16xi32, #tpu.memory_space<hbm>> -> memref<64x16xi32, #tpu.memory_space<hbm>>
      %dma_wait3A_147 = arith.constant 0 : i32
      %dma_wait3A_148 = tpu.memref_slice %arg2[%mul3A_2, %dma_wait3A_147] : memref<2048x16xi32, #tpu.memory_space<hbm>> -> memref<64x16xi32, #tpu.memory_space<hbm>>
      tpu.wait_dma2 semaphore(%run_scoped3A : memref<!tpu.dma_semaphore, #tpu.memory_space<semaphore_mem>>) src(%dma_wait3A_148 : memref<64x16xi32, #tpu.memory_space<hbm>>) dst(%arg6 : memref<64x16xi32, #tpu.memory_space<vmem>>)
      tpu.yield
    }) : () -> ()
    "tpu.region"() ({
      %run_scoped3A = tpu.sem_alloc : memref<!tpu.dma_semaphore, #tpu.memory_space<semaphore_mem>>
      %dma_start3A_141 = arith.constant 0 : i32
      %dma_start3A_142 = tpu.memref_slice %arg3[%mul3A_2, %dma_start3A_141] : memref<2048x16xi32, #tpu.memory_space<hbm>> -> memref<64x16xi32, #tpu.memory_space<hbm>>
      %dma_start3A_143 = arith.constant 0 : i32
      %dma_start3A_144 = tpu.memref_slice %arg3[%mul3A_2, %dma_start3A_143] : memref<2048x16xi32, #tpu.memory_space<hbm>> -> memref<64x16xi32, #tpu.memory_space<hbm>>
      tpu.enqueue_dma source(%dma_start3A_144 : memref<64x16xi32, #tpu.memory_space<hbm>>) target(%arg7 : memref<64x16xi32, #tpu.memory_space<vmem>>) target_semaphore(%run_scoped3A : memref<!tpu.dma_semaphore, #tpu.memory_space<semaphore_mem>>)
      %dma_wait3A_145 = arith.constant 0 : i32
      %dma_wait3A_146 = tpu.memref_slice %arg3[%mul3A_2, %dma_wait3A_145] : memref<2048x16xi32, #tpu.memory_space<hbm>> -> memref<64x16xi32, #tpu.memory_space<hbm>>
      %dma_wait3A_147 = arith.constant 0 : i32
      %dma_wait3A_148 = tpu.memref_slice %arg3[%mul3A_2, %dma_wait3A_147] : memref<2048x16xi32, #tpu.memory_space<hbm>> -> memref<64x16xi32, #tpu.memory_space<hbm>>
      tpu.wait_dma2 semaphore(%run_scoped3A : memref<!tpu.dma_semaphore, #tpu.memory_space<semaphore_mem>>) src(%dma_wait3A_148 : memref<64x16xi32, #tpu.memory_space<hbm>>) dst(%arg7 : memref<64x16xi32, #tpu.memory_space<vmem>>)
      tpu.yield
    }) : () -> ()
    %broadcast_in_dim3A = arith.constant 0 : i32
    %broadcast_in_dim3A_3 = vector.broadcast %broadcast_in_dim3A : i32 to vector<16xi32>
    %get3A = arith.constant 0 : i32
    %get3A_4 = arith.index_cast %get3A : i32 to index
    %get3A_5 = arith.constant 0 : index
    %get3A_6 = tpu.vector_load %arg6[%get3A_4, %get3A_5] {strides = array<i32>} : memref<64x16xi32, #tpu.memory_space<vmem>>, vector<1x16xi32>,
    %get3A_7 = vector.shape_cast %get3A_6 : vector<1x16xi32> to vector<16xi32>
    %max3A = arith.maxsi %get3A_7, %broadcast_in_dim3A_3 : vector<16xi32>
    %broadcast_in_dim3A_8 = arith.constant 4095 : i32
    %broadcast_in_dim3A_9 = vector.broadcast %broadcast_in_dim3A_8 : i32 to vector<16xi32>
    %min3A = arith.minsi %max3A, %broadcast_in_dim3A_9 : vector<16xi32>
    %get3A_10 = arith.constant 0 : i32
    %get3A_11 = arith.index_cast %get3A_10 : i32 to index
    %get3A_12 = arith.constant 0 : index
    %get3A_13 = tpu.vector_load %arg7[%get3A_11, %get3A_12] {strides = array<i32>} : memref<64x16xi32, #tpu.memory_space<vmem>>, vector<1x16xi32>,
    %get3A_14 = vector.shape_cast %get3A_13 : vector<1x16xi32> to vector<16xi32>
    %max3A_15 = arith.maxsi %get3A_14, %broadcast_in_dim3A_3 : vector<16xi32>
    %broadcast_in_dim3A_16 = arith.constant 1 : i32
    %broadcast_in_dim3A_17 = vector.broadcast %broadcast_in_dim3A_16 : i32 to vector<16xi32>
    %min3A_18 = arith.minsi %max3A_15, %broadcast_in_dim3A_17 : vector<16xi32>
    %mul3A_19 = arith.constant 4096 : i32
    %mul3A_20 = vector.broadcast %mul3A_19 : i32 to vector<16xi32>
    %mul3A_21 = arith.muli %min3A_18, %mul3A_20 : vector<16xi32>
    %add3A_22 = arith.addi %min3A, %mul3A_21 : vector<16xi32>
    %swap3A = arith.constant 0 : i32
    %swap3A_23 = arith.index_cast %swap3A : i32 to index
    %swap3A_24 = arith.constant 0 : index
    %swap3A_25 = tpu.vector_load %arg6[%swap3A_23, %swap3A_24] {strides = array<i32>} : memref<64x16xi32, #tpu.memory_space<vmem>>, vector<1x16xi32>,
    %swap3A_26 = vector.shape_cast %swap3A_25 : vector<1x16xi32> to vector<16xi32>
    %swap3A_27 = vector.shape_cast %add3A_22 : vector<16xi32> to vector<1x16xi32>
    tpu.vector_store %arg6[%swap3A_23, %swap3A_24], %swap3A_27 {strides = array<i32>} : memref<64x16xi32, #tpu.memory_space<vmem>>, vector<1x16xi32>,
    %get3A_28 = arith.constant 1 : i32
    %get3A_29 = arith.index_cast %get3A_28 : i32 to index
    %get3A_30 = arith.constant 0 : index
    %get3A_31 = tpu.vector_load %arg6[%get3A_29, %get3A_30] {strides = array<i32>} : memref<64x16xi32, #tpu.memory_space<vmem>>, vector<1x16xi32>,
    %get3A_32 = vector.shape_cast %get3A_31 : vector<1x16xi32> to vector<16xi32>
    %max3A_33 = arith.maxsi %get3A_32, %broadcast_in_dim3A_3 : vector<16xi32>
    %broadcast_in_dim3A_34 = arith.constant 4095 : i32
    %broadcast_in_dim3A_35 = vector.broadcast %broadcast_in_dim3A_34 : i32 to vector<16xi32>
    %min3A_36 = arith.minsi %max3A_33, %broadcast_in_dim3A_35 : vector<16xi32>
    %get3A_37 = arith.constant 1 : i32
    %get3A_38 = arith.index_cast %get3A_37 : i32 to index
    %get3A_39 = arith.constant 0 : index
    %get3A_40 = tpu.vector_load %arg7[%get3A_38, %get3A_39] {strides = array<i32>} : memref<64x16xi32, #tpu.memory_space<vmem>>, vector<1x16xi32>,
    %get3A_41 = vector.shape_cast %get3A_40 : vector<1x16xi32> to vector<16xi32>
    %max3A_42 = arith.maxsi %get3A_41, %broadcast_in_dim3A_3 : vector<16xi32>
    %broadcast_in_dim3A_43 = arith.constant 1 : i32
    %broadcast_in_dim3A_44 = vector.broadcast %broadcast_in_dim3A_43 : i32 to vector<16xi32>
    %min3A_45 = arith.minsi %max3A_42, %broadcast_in_dim3A_44 : vector<16xi32>
    %mul3A_46 = arith.constant 4096 : i32
    %mul3A_47 = vector.broadcast %mul3A_46 : i32 to vector<16xi32>
    %mul3A_48 = arith.muli %min3A_45, %mul3A_47 : vector<16xi32>
    %add3A_49 = arith.addi %min3A_36, %mul3A_48 : vector<16xi32>
    %swap3A_50 = arith.constant 1 : i32
    %swap3A_51 = arith.index_cast %swap3A_50 : i32 to index
    %swap3A_52 = arith.constant 0 : index
    %swap3A_53 = tpu.vector_load %arg6[%swap3A_51, %swap3A_52] {strides = array<i32>} : memref<64x16xi32, #tpu.memory_space<vmem>>, vector<1x16xi32>,
    %swap3A_54 = vector.shape_cast %swap3A_53 : vector<1x16xi32> to vector<16xi32>
    %swap3A_55 = vector.shape_cast %add3A_49 : vector<16xi32> to vector<1x16xi32>
    tpu.vector_store %arg6[%swap3A_51, %swap3A_52], %swap3A_55 {strides = array<i32>} : memref<64x16xi32, #tpu.memory_space<vmem>>, vector<1x16xi32>,
    %get3A_56 = arith.constant 2 : i32
    %get3A_57 = arith.index_cast %get3A_56 : i32 to index
    %get3A_58 = arith.constant 0 : index
    %get3A_59 = tpu.vector_load %arg6[%get3A_57, %get3A_58] {strides = array<i32>} : memref<64x16xi32, #tpu.memory_space<vmem>>, vector<1x16xi32>,
    %get3A_60 = vector.shape_cast %get3A_59 : vector<1x16xi32> to vector<16xi32>
    %max3A_61 = arith.maxsi %get3A_60, %broadcast_in_dim3A_3 : vector<16xi32>
    %broadcast_in_dim3A_62 = arith.constant 4095 : i32
    %broadcast_in_dim3A_63 = vector.broadcast %broadcast_in_dim3A_62 : i32 to vector<16xi32>
    %min3A_64 = arith.minsi %max3A_61, %broadcast_in_dim3A_63 : vector<16xi32>
    %get3A_65 = arith.constant 2 : i32
    %get3A_66 = arith.index_cast %get3A_65 : i32 to index
    %get3A_67 = arith.constant 0 : index
    %get3A_68 = tpu.vector_load %arg7[%get3A_66, %get3A_67] {strides = array<i32>} : memref<64x16xi32, #tpu.memory_space<vmem>>, vector<1x16xi32>,
    %get3A_69 = vector.shape_cast %get3A_68 : vector<1x16xi32> to vector<16xi32>
    %max3A_70 = arith.maxsi %get3A_69, %broadcast_in_dim3A_3 : vector<16xi32>
    %broadcast_in_dim3A_71 = arith.constant 1 : i32
    %broadcast_in_dim3A_72 = vector.broadcast %broadcast_in_dim3A_71 : i32 to vector<16xi32>
    %min3A_73 = arith.minsi %max3A_70, %broadcast_in_dim3A_72 : vector<16xi32>
    %mul3A_74 = arith.constant 4096 : i32
    %mul3A_75 = vector.broadcast %mul3A_74 : i32 to vector<16xi32>
    %mul3A_76 = arith.muli %min3A_73, %mul3A_75 : vector<16xi32>
    %add3A_77 = arith.addi %min3A_64, %mul3A_76 : vector<16xi32>
    %swap3A_78 = arith.constant 2 : i32
    %swap3A_79 = arith.index_cast %swap3A_78 : i32 to index
    %swap3A_80 = arith.constant 0 : index
    %swap3A_81 = tpu.vector_load %arg6[%swap3A_79, %swap3A_80] {strides = array<i32>} : memref<64x16xi32, #tpu.memory_space<vmem>>, vector<1x16xi32>,
    %swap3A_82 = vector.shape_cast %swap3A_81 : vector<1x16xi32> to vector<16xi32>
    %swap3A_83 = vector.shape_cast %add3A_77 : vector<16xi32> to vector<1x16xi32>
    tpu.vector_store %arg6[%swap3A_79, %swap3A_80], %swap3A_83 {strides = array<i32>} : memref<64x16xi32, #tpu.memory_space<vmem>>, vector<1x16xi32>,
    %dma_start3A = arith.constant 0 : i32
    %dma_start3A_84 = arith.constant 0 : i32
    %dma_start3A_85 = tpu.memref_slice %arg6[%dma_start3A, %dma_start3A_84] : memref<64x16xi32, #tpu.memory_space<vmem>> -> memref<1x16xi32, #tpu.memory_space<vmem>>
    %dma_start3A_86 = tpu.memref_squeeze %dma_start3A_85 : memref<1x16xi32, #tpu.memory_space<vmem>> -> memref<16xi32, #tpu.memory_space<vmem>>
    %dma_start3A_87 = arith.constant 0 : i32
    %dma_start3A_88 = arith.constant 0 : i32
    %dma_start3A_89 = tpu.memref_slice %arg4[%dma_start3A_87, %dma_start3A_88] : memref<8192x1024xf32, #tpu.memory_space<hbm>> -> memref<8192x1024xf32, #tpu.memory_space<hbm>>
    tpu.enqueue_indirect_dma source(%dma_start3A_89 : memref<8192x1024xf32, #tpu.memory_space<hbm>>) target(%arg8 : memref<16x1024xf32, #tpu.memory_space<vmem>>) offsets(%dma_start3A_86 : memref<16xi32, #tpu.memory_space<vmem>>) semaphore(%arg12 : memref<!tpu.dma_semaphore, #tpu.memory_space<semaphore_mem>>)
    %dma_start3A_90 = arith.constant 1 : i32
    %dma_start3A_91 = arith.constant 0 : i32
    %dma_start3A_92 = tpu.memref_slice %arg6[%dma_start3A_90, %dma_start3A_91] : memref<64x16xi32, #tpu.memory_space<vmem>> -> memref<1x16xi32, #tpu.memory_space<vmem>>
    %dma_start3A_93 = tpu.memref_squeeze %dma_start3A_92 : memref<1x16xi32, #tpu.memory_space<vmem>> -> memref<16xi32, #tpu.memory_space<vmem>>
    %dma_start3A_94 = arith.constant 0 : i32
    %dma_start3A_95 = arith.constant 0 : i32
    %dma_start3A_96 = tpu.memref_slice %arg4[%dma_start3A_94, %dma_start3A_95] : memref<8192x1024xf32, #tpu.memory_space<hbm>> -> memref<8192x1024xf32, #tpu.memory_space<hbm>>
    tpu.enqueue_indirect_dma source(%dma_start3A_96 : memref<8192x1024xf32, #tpu.memory_space<hbm>>) target(%arg9 : memref<16x1024xf32, #tpu.memory_space<vmem>>) offsets(%dma_start3A_93 : memref<16xi32, #tpu.memory_space<vmem>>) semaphore(%arg13 : memref<!tpu.dma_semaphore, #tpu.memory_space<semaphore_mem>>)
    %dma_start3A_97 = arith.constant 2 : i32
    %dma_start3A_98 = arith.constant 0 : i32
    %dma_start3A_99 = tpu.memref_slice %arg6[%dma_start3A_97, %dma_start3A_98] : memref<64x16xi32, #tpu.memory_space<vmem>> -> memref<1x16xi32, #tpu.memory_space<vmem>>
    %dma_start3A_100 = tpu.memref_squeeze %dma_start3A_99 : memref<1x16xi32, #tpu.memory_space<vmem>> -> memref<16xi32, #tpu.memory_space<vmem>>
    %dma_start3A_101 = arith.constant 0 : i32
    %dma_start3A_102 = arith.constant 0 : i32
    %dma_start3A_103 = tpu.memref_slice %arg4[%dma_start3A_101, %dma_start3A_102] : memref<8192x1024xf32, #tpu.memory_space<hbm>> -> memref<8192x1024xf32, #tpu.memory_space<hbm>>
    tpu.enqueue_indirect_dma source(%dma_start3A_103 : memref<8192x1024xf32, #tpu.memory_space<hbm>>) target(%arg10 : memref<16x1024xf32, #tpu.memory_space<vmem>>) offsets(%dma_start3A_100 : memref<16xi32, #tpu.memory_space<vmem>>) semaphore(%arg14 : memref<!tpu.dma_semaphore, #tpu.memory_space<semaphore_mem>>)
    %scan3A = arith.constant 0 : i32
    %scan3A_104 = arith.constant 0 : i32
    %scan3A_105 = arith.constant 16 : i32
    %scan3A_106 = arith.addi %scan3A_104, %scan3A_105 : i32
    %scan3A_107 = arith.constant 1 : i32
    %scan3A_108 = scf.for %scan3A_141 = %scan3A_104 to %scan3A_106 step %scan3A_107 iter_args(%scan3A_142 = %scan3A) -> (i32)  : i32 {
      %mul3A_143 = arith.constant 4 : i32
      %mul3A_144 = arith.muli %scan3A_141, %mul3A_143 : i32
      %add3A_145 = arith.constant 0 : i32
      %add3A_146 = arith.addi %mul3A_144, %add3A_145 : i32
      %dma_wait3A_147 = arith.constant 0 : i32
      %dma_wait3A_148 = tpu.memref_slice %arg6[%add3A_146, %dma_wait3A_147] : memref<64x16xi32, #tpu.memory_space<vmem>> -> memref<1x16xi32, #tpu.memory_space<vmem>>
      %dma_wait3A_149 = tpu.memref_squeeze %dma_wait3A_148 : memref<1x16xi32, #tpu.memory_space<vmem>> -> memref<16xi32, #tpu.memory_space<vmem>>
      %dma_wait3A_150 = arith.constant 0 : i32
      %dma_wait3A_151 = arith.constant 0 : i32
      %dma_wait3A_152 = tpu.memref_slice %arg4[%dma_wait3A_150, %dma_wait3A_151] : memref<8192x1024xf32, #tpu.memory_space<hbm>> -> memref<8192x1024xf32, #tpu.memory_space<hbm>>
      tpu.wait_indirect_dma semaphore(%arg12 : memref<!tpu.dma_semaphore, #tpu.memory_space<semaphore_mem>>) src(%dma_wait3A_152 : memref<8192x1024xf32, #tpu.memory_space<hbm>>) dst(%arg8 : memref<16x1024xf32, #tpu.memory_space<vmem>>)
      %mul3A_153 = arith.constant 1024 : i32
      %mul3A_154 = arith.muli %add3A, %mul3A_153 : i32
      %mul3A_155 = arith.constant 16 : i32
      %mul3A_156 = arith.muli %add3A_146, %mul3A_155 : i32
      %add3A_157 = arith.addi %mul3A_154, %mul3A_156 : i32
      %dma_start3A_158 = arith.constant 0 : i32
      %dma_start3A_159 = tpu.memref_slice %arg5[%add3A_157, %dma_start3A_158] : memref<32768x1024xf32, #tpu.memory_space<hbm>> -> memref<16x1024xf32, #tpu.memory_space<hbm>>
      %dma_start3A_160 = arith.constant 0 : i32
      %dma_start3A_161 = tpu.memref_slice %arg5[%add3A_157, %dma_start3A_160] : memref<32768x1024xf32, #tpu.memory_space<hbm>> -> memref<16x1024xf32, #tpu.memory_space<hbm>>
      tpu.enqueue_dma source(%arg8 : memref<16x1024xf32, #tpu.memory_space<vmem>>) target(%dma_start3A_161 : memref<16x1024xf32, #tpu.memory_space<hbm>>) target_semaphore(%arg16 : memref<!tpu.dma_semaphore, #tpu.memory_space<semaphore_mem>>)
      %add3A_162 = arith.constant 4 : i32
      %add3A_163 = arith.addi %add3A_146, %add3A_162 : i32
      %sub3A = arith.constant 1 : i32
      %sub3A_164 = arith.subi %add3A_163, %sub3A : i32
      %lt3A = arith.constant 64 : i32
      %lt3A_165 = arith.cmpi slt, %sub3A_164, %lt3A : i32
      %convert_element_type3A = arith.extui %lt3A_165 : i1 to i32
      %cond3A = arith.constant 0 : i32
      %cond3A_166 = arith.cmpi ne, %convert_element_type3A, %cond3A : i32
      scf.if %cond3A_166 {
        %add3A_252 = arith.constant 4 : i32
        %add3A_253 = arith.addi %add3A_146, %add3A_252 : i32
        %sub3A_254 = arith.constant 1 : i32
        %sub3A_255 = arith.subi %add3A_253, %sub3A_254 : i32
        %get3A_256 = arith.index_cast %sub3A_255 : i32 to index
        %get3A_257 = arith.constant 0 : index
        %get3A_258 = tpu.vector_load %arg6[%get3A_256, %get3A_257] {strides = array<i32>} : memref<64x16xi32, #tpu.memory_space<vmem>>, vector<1x16xi32>,
        %get3A_259 = vector.shape_cast %get3A_258 : vector<1x16xi32> to vector<16xi32>
        %max3A_260 = arith.maxsi %get3A_259, %broadcast_in_dim3A_3 : vector<16xi32>
        %broadcast_in_dim3A_261 = arith.constant 4095 : i32
        %broadcast_in_dim3A_262 = vector.broadcast %broadcast_in_dim3A_261 : i32 to vector<16xi32>
        %min3A_263 = arith.minsi %max3A_260, %broadcast_in_dim3A_262 : vector<16xi32>
        %get3A_264 = arith.index_cast %sub3A_255 : i32 to index
        %get3A_265 = arith.constant 0 : index
        %get3A_266 = tpu.vector_load %arg7[%get3A_264, %get3A_265] {strides = array<i32>} : memref<64x16xi32, #tpu.memory_space<vmem>>, vector<1x16xi32>,
        %get3A_267 = vector.shape_cast %get3A_266 : vector<1x16xi32> to vector<16xi32>
        %max3A_268 = arith.maxsi %get3A_267, %broadcast_in_dim3A_3 : vector<16xi32>
        %broadcast_in_dim3A_269 = arith.constant 1 : i32
        %broadcast_in_dim3A_270 = vector.broadcast %broadcast_in_dim3A_269 : i32 to vector<16xi32>
        %min3A_271 = arith.minsi %max3A_268, %broadcast_in_dim3A_270 : vector<16xi32>
        %mul3A_272 = arith.constant 4096 : i32
        %mul3A_273 = vector.broadcast %mul3A_272 : i32 to vector<16xi32>
        %mul3A_274 = arith.muli %min3A_271, %mul3A_273 : vector<16xi32>
        %add3A_275 = arith.addi %min3A_263, %mul3A_274 : vector<16xi32>
        %swap3A_276 = arith.index_cast %sub3A_255 : i32 to index
        %swap3A_277 = arith.constant 0 : index
        %swap3A_278 = tpu.vector_load %arg6[%swap3A_276, %swap3A_277] {strides = array<i32>} : memref<64x16xi32, #tpu.memory_space<vmem>>, vector<1x16xi32>,
        %swap3A_279 = vector.shape_cast %swap3A_278 : vector<1x16xi32> to vector<16xi32>
        %swap3A_280 = vector.shape_cast %add3A_275 : vector<16xi32> to vector<1x16xi32>
        tpu.vector_store %arg6[%swap3A_276, %swap3A_277], %swap3A_280 {strides = array<i32>} : memref<64x16xi32, #tpu.memory_space<vmem>>, vector<1x16xi32>,
        %ge3A = arith.constant 1 : i32
        %ge3A_281 = arith.cmpi sge, %add3A_146, %ge3A : i32
        %convert_element_type3A_282 = arith.extui %ge3A_281 : i1 to i32
        %cond3A_283 = arith.constant 0 : i32
        %cond3A_284 = arith.cmpi ne, %convert_element_type3A_282, %cond3A_283 : i32
        scf.if %cond3A_284 {
          %sub3A_295 = arith.constant 1 : i32
          %sub3A_296 = arith.subi %add3A_146, %sub3A_295 : i32
          %mul3A_297 = arith.constant 1024 : i32
          %mul3A_298 = arith.muli %add3A, %mul3A_297 : i32
          %mul3A_299 = arith.constant 16 : i32
          %mul3A_300 = arith.muli %sub3A_296, %mul3A_299 : i32
          %add3A_301 = arith.addi %mul3A_298, %mul3A_300 : i32
          %dma_wait3A_302 = arith.constant 0 : i32
          %dma_wait3A_303 = tpu.memref_slice %arg5[%add3A_301, %dma_wait3A_302] : memref<32768x1024xf32, #tpu.memory_space<hbm>> -> memref<16x1024xf32, #tpu.memory_space<hbm>>
          %dma_wait3A_304 = arith.constant 0 : i32
          %dma_wait3A_305 = tpu.memref_slice %arg5[%add3A_301, %dma_wait3A_304] : memref<32768x1024xf32, #tpu.memory_space<hbm>> -> memref<16x1024xf32, #tpu.memory_space<hbm>>
          tpu.wait_dma2 semaphore(%arg19 : memref<!tpu.dma_semaphore, #tpu.memory_space<semaphore_mem>>) src(%arg11 : memref<16x1024xf32, #tpu.memory_space<vmem>>) dst(%dma_wait3A_305 : memref<16x1024xf32, #tpu.memory_space<hbm>>)
        } else {
        }
        %add3A_285 = arith.constant 4 : i32
        %add3A_286 = arith.addi %add3A_146, %add3A_285 : i32
        %sub3A_287 = arith.constant 1 : i32
        %sub3A_288 = arith.subi %add3A_286, %sub3A_287 : i32
        %dma_start3A_289 = arith.constant 0 : i32
        %dma_start3A_290 = tpu.memref_slice %arg6[%sub3A_288, %dma_start3A_289] : memref<64x16xi32, #tpu.memory_space<vmem>> -> memref<1x16xi32, #tpu.memory_space<vmem>>
        %dma_start3A_291 = tpu.memref_squeeze %dma_start3A_290 : memref<1x16xi32, #tpu.memory_space<vmem>> -> memref<16xi32, #tpu.memory_space<vmem>>
        %dma_start3A_292 = arith.constant 0 : i32
        %dma_start3A_293 = arith.constant 0 : i32
        %dma_start3A_294 = tpu.memref_slice %arg4[%dma_start3A_292, %dma_start3A_293] : memref<8192x1024xf32, #tpu.memory_space<hbm>> -> memref<8192x1024xf32, #tpu.memory_space<hbm>>
        tpu.enqueue_indirect_dma source(%dma_start3A_294 : memref<8192x1024xf32, #tpu.memory_space<hbm>>) target(%arg11 : memref<16x1024xf32, #tpu.memory_space<vmem>>) offsets(%dma_start3A_291 : memref<16xi32, #tpu.memory_space<vmem>>) semaphore(%arg15 : memref<!tpu.dma_semaphore, #tpu.memory_space<semaphore_mem>>)
      } else {
      }
      %mul3A_167 = arith.constant 4 : i32
      %mul3A_168 = arith.muli %scan3A_141, %mul3A_167 : i32
      %add3A_169 = arith.constant 1 : i32
      %add3A_170 = arith.addi %mul3A_168, %add3A_169 : i32
      %dma_wait3A_171 = arith.constant 0 : i32
      %dma_wait3A_172 = tpu.memref_slice %arg6[%add3A_170, %dma_wait3A_171] : memref<64x16xi32, #tpu.memory_space<vmem>> -> memref<1x16xi32, #tpu.memory_space<vmem>>
      %dma_wait3A_173 = tpu.memref_squeeze %dma_wait3A_172 : memref<1x16xi32, #tpu.memory_space<vmem>> -> memref<16xi32, #tpu.memory_space<vmem>>
      %dma_wait3A_174 = arith.constant 0 : i32
      %dma_wait3A_175 = arith.constant 0 : i32
      %dma_wait3A_176 = tpu.memref_slice %arg4[%dma_wait3A_174, %dma_wait3A_175] : memref<8192x1024xf32, #tpu.memory_space<hbm>> -> memref<8192x1024xf32, #tpu.memory_space<hbm>>
      tpu.wait_indirect_dma semaphore(%arg13 : memref<!tpu.dma_semaphore, #tpu.memory_space<semaphore_mem>>) src(%dma_wait3A_176 : memref<8192x1024xf32, #tpu.memory_space<hbm>>) dst(%arg9 : memref<16x1024xf32, #tpu.memory_space<vmem>>)
      %mul3A_177 = arith.constant 1024 : i32
      %mul3A_178 = arith.muli %add3A, %mul3A_177 : i32
      %mul3A_179 = arith.constant 16 : i32
      %mul3A_180 = arith.muli %add3A_170, %mul3A_179 : i32
      %add3A_181 = arith.addi %mul3A_178, %mul3A_180 : i32
      %dma_start3A_182 = arith.constant 0 : i32
      %dma_start3A_183 = tpu.memref_slice %arg5[%add3A_181, %dma_start3A_182] : memref<32768x1024xf32, #tpu.memory_space<hbm>> -> memref<16x1024xf32, #tpu.memory_space<hbm>>
      %dma_start3A_184 = arith.constant 0 : i32
      %dma_start3A_185 = tpu.memref_slice %arg5[%add3A_181, %dma_start3A_184] : memref<32768x1024xf32, #tpu.memory_space<hbm>> -> memref<16x1024xf32, #tpu.memory_space<hbm>>
      tpu.enqueue_dma source(%arg9 : memref<16x1024xf32, #tpu.memory_space<vmem>>) target(%dma_start3A_185 : memref<16x1024xf32, #tpu.memory_space<hbm>>) target_semaphore(%arg17 : memref<!tpu.dma_semaphore, #tpu.memory_space<semaphore_mem>>)
      %add3A_186 = arith.constant 4 : i32
      %add3A_187 = arith.addi %add3A_170, %add3A_186 : i32
      %sub3A_188 = arith.constant 1 : i32
      %sub3A_189 = arith.subi %add3A_187, %sub3A_188 : i32
      %lt3A_190 = arith.constant 64 : i32
      %lt3A_191 = arith.cmpi slt, %sub3A_189, %lt3A_190 : i32
      %convert_element_type3A_192 = arith.extui %lt3A_191 : i1 to i32
      %cond3A_193 = arith.constant 0 : i32
      %cond3A_194 = arith.cmpi ne, %convert_element_type3A_192, %cond3A_193 : i32
      scf.if %cond3A_194 {
        %add3A_252 = arith.constant 4 : i32
        %add3A_253 = arith.addi %add3A_170, %add3A_252 : i32
        %sub3A_254 = arith.constant 1 : i32
        %sub3A_255 = arith.subi %add3A_253, %sub3A_254 : i32
        %get3A_256 = arith.index_cast %sub3A_255 : i32 to index
        %get3A_257 = arith.constant 0 : index
        %get3A_258 = tpu.vector_load %arg6[%get3A_256, %get3A_257] {strides = array<i32>} : memref<64x16xi32, #tpu.memory_space<vmem>>, vector<1x16xi32>,
        %get3A_259 = vector.shape_cast %get3A_258 : vector<1x16xi32> to vector<16xi32>
        %max3A_260 = arith.maxsi %get3A_259, %broadcast_in_dim3A_3 : vector<16xi32>
        %broadcast_in_dim3A_261 = arith.constant 4095 : i32
        %broadcast_in_dim3A_262 = vector.broadcast %broadcast_in_dim3A_261 : i32 to vector<16xi32>
        %min3A_263 = arith.minsi %max3A_260, %broadcast_in_dim3A_262 : vector<16xi32>
        %get3A_264 = arith.index_cast %sub3A_255 : i32 to index
        %get3A_265 = arith.constant 0 : index
        %get3A_266 = tpu.vector_load %arg7[%get3A_264, %get3A_265] {strides = array<i32>} : memref<64x16xi32, #tpu.memory_space<vmem>>, vector<1x16xi32>,
        %get3A_267 = vector.shape_cast %get3A_266 : vector<1x16xi32> to vector<16xi32>
        %max3A_268 = arith.maxsi %get3A_267, %broadcast_in_dim3A_3 : vector<16xi32>
        %broadcast_in_dim3A_269 = arith.constant 1 : i32
        %broadcast_in_dim3A_270 = vector.broadcast %broadcast_in_dim3A_269 : i32 to vector<16xi32>
        %min3A_271 = arith.minsi %max3A_268, %broadcast_in_dim3A_270 : vector<16xi32>
        %mul3A_272 = arith.constant 4096 : i32
        %mul3A_273 = vector.broadcast %mul3A_272 : i32 to vector<16xi32>
        %mul3A_274 = arith.muli %min3A_271, %mul3A_273 : vector<16xi32>
        %add3A_275 = arith.addi %min3A_263, %mul3A_274 : vector<16xi32>
        %swap3A_276 = arith.index_cast %sub3A_255 : i32 to index
        %swap3A_277 = arith.constant 0 : index
        %swap3A_278 = tpu.vector_load %arg6[%swap3A_276, %swap3A_277] {strides = array<i32>} : memref<64x16xi32, #tpu.memory_space<vmem>>, vector<1x16xi32>,
        %swap3A_279 = vector.shape_cast %swap3A_278 : vector<1x16xi32> to vector<16xi32>
        %swap3A_280 = vector.shape_cast %add3A_275 : vector<16xi32> to vector<1x16xi32>
        tpu.vector_store %arg6[%swap3A_276, %swap3A_277], %swap3A_280 {strides = array<i32>} : memref<64x16xi32, #tpu.memory_space<vmem>>, vector<1x16xi32>,
        %ge3A = arith.constant 1 : i32
        %ge3A_281 = arith.cmpi sge, %add3A_170, %ge3A : i32
        %convert_element_type3A_282 = arith.extui %ge3A_281 : i1 to i32
        %cond3A_283 = arith.constant 0 : i32
        %cond3A_284 = arith.cmpi ne, %convert_element_type3A_282, %cond3A_283 : i32
        scf.if %cond3A_284 {
          %sub3A_295 = arith.constant 1 : i32
          %sub3A_296 = arith.subi %add3A_170, %sub3A_295 : i32
          %mul3A_297 = arith.constant 1024 : i32
          %mul3A_298 = arith.muli %add3A, %mul3A_297 : i32
          %mul3A_299 = arith.constant 16 : i32
          %mul3A_300 = arith.muli %sub3A_296, %mul3A_299 : i32
          %add3A_301 = arith.addi %mul3A_298, %mul3A_300 : i32
          %dma_wait3A_302 = arith.constant 0 : i32
          %dma_wait3A_303 = tpu.memref_slice %arg5[%add3A_301, %dma_wait3A_302] : memref<32768x1024xf32, #tpu.memory_space<hbm>> -> memref<16x1024xf32, #tpu.memory_space<hbm>>
          %dma_wait3A_304 = arith.constant 0 : i32
          %dma_wait3A_305 = tpu.memref_slice %arg5[%add3A_301, %dma_wait3A_304] : memref<32768x1024xf32, #tpu.memory_space<hbm>> -> memref<16x1024xf32, #tpu.memory_space<hbm>>
          tpu.wait_dma2 semaphore(%arg16 : memref<!tpu.dma_semaphore, #tpu.memory_space<semaphore_mem>>) src(%arg8 : memref<16x1024xf32, #tpu.memory_space<vmem>>) dst(%dma_wait3A_305 : memref<16x1024xf32, #tpu.memory_space<hbm>>)
        } else {
        }
        %add3A_285 = arith.constant 4 : i32
        %add3A_286 = arith.addi %add3A_170, %add3A_285 : i32
        %sub3A_287 = arith.constant 1 : i32
        %sub3A_288 = arith.subi %add3A_286, %sub3A_287 : i32
        %dma_start3A_289 = arith.constant 0 : i32
        %dma_start3A_290 = tpu.memref_slice %arg6[%sub3A_288, %dma_start3A_289] : memref<64x16xi32, #tpu.memory_space<vmem>> -> memref<1x16xi32, #tpu.memory_space<vmem>>
        %dma_start3A_291 = tpu.memref_squeeze %dma_start3A_290 : memref<1x16xi32, #tpu.memory_space<vmem>> -> memref<16xi32, #tpu.memory_space<vmem>>
        %dma_start3A_292 = arith.constant 0 : i32
        %dma_start3A_293 = arith.constant 0 : i32
        %dma_start3A_294 = tpu.memref_slice %arg4[%dma_start3A_292, %dma_start3A_293] : memref<8192x1024xf32, #tpu.memory_space<hbm>> -> memref<8192x1024xf32, #tpu.memory_space<hbm>>
        tpu.enqueue_indirect_dma source(%dma_start3A_294 : memref<8192x1024xf32, #tpu.memory_space<hbm>>) target(%arg8 : memref<16x1024xf32, #tpu.memory_space<vmem>>) offsets(%dma_start3A_291 : memref<16xi32, #tpu.memory_space<vmem>>) semaphore(%arg12 : memref<!tpu.dma_semaphore, #tpu.memory_space<semaphore_mem>>)
      } else {
      }
      %mul3A_195 = arith.constant 4 : i32
      %mul3A_196 = arith.muli %scan3A_141, %mul3A_195 : i32
      %add3A_197 = arith.constant 2 : i32
      %add3A_198 = arith.addi %mul3A_196, %add3A_197 : i32
      %dma_wait3A_199 = arith.constant 0 : i32
      %dma_wait3A_200 = tpu.memref_slice %arg6[%add3A_198, %dma_wait3A_199] : memref<64x16xi32, #tpu.memory_space<vmem>> -> memref<1x16xi32, #tpu.memory_space<vmem>>
      %dma_wait3A_201 = tpu.memref_squeeze %dma_wait3A_200 : memref<1x16xi32, #tpu.memory_space<vmem>> -> memref<16xi32, #tpu.memory_space<vmem>>
      %dma_wait3A_202 = arith.constant 0 : i32
      %dma_wait3A_203 = arith.constant 0 : i32
      %dma_wait3A_204 = tpu.memref_slice %arg4[%dma_wait3A_202, %dma_wait3A_203] : memref<8192x1024xf32, #tpu.memory_space<hbm>> -> memref<8192x1024xf32, #tpu.memory_space<hbm>>
      tpu.wait_indirect_dma semaphore(%arg14 : memref<!tpu.dma_semaphore, #tpu.memory_space<semaphore_mem>>) src(%dma_wait3A_204 : memref<8192x1024xf32, #tpu.memory_space<hbm>>) dst(%arg10 : memref<16x1024xf32, #tpu.memory_space<vmem>>)
      %mul3A_205 = arith.constant 1024 : i32
      %mul3A_206 = arith.muli %add3A, %mul3A_205 : i32
      %mul3A_207 = arith.constant 16 : i32
      %mul3A_208 = arith.muli %add3A_198, %mul3A_207 : i32
      %add3A_209 = arith.addi %mul3A_206, %mul3A_208 : i32
      %dma_start3A_210 = arith.constant 0 : i32
      %dma_start3A_211 = tpu.memref_slice %arg5[%add3A_209, %dma_start3A_210] : memref<32768x1024xf32, #tpu.memory_space<hbm>> -> memref<16x1024xf32, #tpu.memory_space<hbm>>
      %dma_start3A_212 = arith.constant 0 : i32
      %dma_start3A_213 = tpu.memref_slice %arg5[%add3A_209, %dma_start3A_212] : memref<32768x1024xf32, #tpu.memory_space<hbm>> -> memref<16x1024xf32, #tpu.memory_space<hbm>>
      tpu.enqueue_dma source(%arg10 : memref<16x1024xf32, #tpu.memory_space<vmem>>) target(%dma_start3A_213 : memref<16x1024xf32, #tpu.memory_space<hbm>>) target_semaphore(%arg18 : memref<!tpu.dma_semaphore, #tpu.memory_space<semaphore_mem>>)
      %add3A_214 = arith.constant 4 : i32
      %add3A_215 = arith.addi %add3A_198, %add3A_214 : i32
      %sub3A_216 = arith.constant 1 : i32
      %sub3A_217 = arith.subi %add3A_215, %sub3A_216 : i32
      %lt3A_218 = arith.constant 64 : i32
      %lt3A_219 = arith.cmpi slt, %sub3A_217, %lt3A_218 : i32
      %convert_element_type3A_220 = arith.extui %lt3A_219 : i1 to i32
      %cond3A_221 = arith.constant 0 : i32
      %cond3A_222 = arith.cmpi ne, %convert_element_type3A_220, %cond3A_221 : i32
      scf.if %cond3A_222 {
        %add3A_252 = arith.constant 4 : i32
        %add3A_253 = arith.addi %add3A_198, %add3A_252 : i32
        %sub3A_254 = arith.constant 1 : i32
        %sub3A_255 = arith.subi %add3A_253, %sub3A_254 : i32
        %get3A_256 = arith.index_cast %sub3A_255 : i32 to index
        %get3A_257 = arith.constant 0 : index
        %get3A_258 = tpu.vector_load %arg6[%get3A_256, %get3A_257] {strides = array<i32>} : memref<64x16xi32, #tpu.memory_space<vmem>>, vector<1x16xi32>,
        %get3A_259 = vector.shape_cast %get3A_258 : vector<1x16xi32> to vector<16xi32>
        %max3A_260 = arith.maxsi %get3A_259, %broadcast_in_dim3A_3 : vector<16xi32>
        %broadcast_in_dim3A_261 = arith.constant 4095 : i32
        %broadcast_in_dim3A_262 = vector.broadcast %broadcast_in_dim3A_261 : i32 to vector<16xi32>
        %min3A_263 = arith.minsi %max3A_260, %broadcast_in_dim3A_262 : vector<16xi32>
        %get3A_264 = arith.index_cast %sub3A_255 : i32 to index
        %get3A_265 = arith.constant 0 : index
        %get3A_266 = tpu.vector_load %arg7[%get3A_264, %get3A_265] {strides = array<i32>} : memref<64x16xi32, #tpu.memory_space<vmem>>, vector<1x16xi32>,
        %get3A_267 = vector.shape_cast %get3A_266 : vector<1x16xi32> to vector<16xi32>
        %max3A_268 = arith.maxsi %get3A_267, %broadcast_in_dim3A_3 : vector<16xi32>
        %broadcast_in_dim3A_269 = arith.constant 1 : i32
        %broadcast_in_dim3A_270 = vector.broadcast %broadcast_in_dim3A_269 : i32 to vector<16xi32>
        %min3A_271 = arith.minsi %max3A_268, %broadcast_in_dim3A_270 : vector<16xi32>
        %mul3A_272 = arith.constant 4096 : i32
        %mul3A_273 = vector.broadcast %mul3A_272 : i32 to vector<16xi32>
        %mul3A_274 = arith.muli %min3A_271, %mul3A_273 : vector<16xi32>
        %add3A_275 = arith.addi %min3A_263, %mul3A_274 : vector<16xi32>
        %swap3A_276 = arith.index_cast %sub3A_255 : i32 to index
        %swap3A_277 = arith.constant 0 : index
        %swap3A_278 = tpu.vector_load %arg6[%swap3A_276, %swap3A_277] {strides = array<i32>} : memref<64x16xi32, #tpu.memory_space<vmem>>, vector<1x16xi32>,
        %swap3A_279 = vector.shape_cast %swap3A_278 : vector<1x16xi32> to vector<16xi32>
        %swap3A_280 = vector.shape_cast %add3A_275 : vector<16xi32> to vector<1x16xi32>
        tpu.vector_store %arg6[%swap3A_276, %swap3A_277], %swap3A_280 {strides = array<i32>} : memref<64x16xi32, #tpu.memory_space<vmem>>, vector<1x16xi32>,
        %ge3A = arith.constant 1 : i32
        %ge3A_281 = arith.cmpi sge, %add3A_198, %ge3A : i32
        %convert_element_type3A_282 = arith.extui %ge3A_281 : i1 to i32
        %cond3A_283 = arith.constant 0 : i32
        %cond3A_284 = arith.cmpi ne, %convert_element_type3A_282, %cond3A_283 : i32
        scf.if %cond3A_284 {
          %sub3A_295 = arith.constant 1 : i32
          %sub3A_296 = arith.subi %add3A_198, %sub3A_295 : i32
          %mul3A_297 = arith.constant 1024 : i32
          %mul3A_298 = arith.muli %add3A, %mul3A_297 : i32
          %mul3A_299 = arith.constant 16 : i32
          %mul3A_300 = arith.muli %sub3A_296, %mul3A_299 : i32
          %add3A_301 = arith.addi %mul3A_298, %mul3A_300 : i32
          %dma_wait3A_302 = arith.constant 0 : i32
          %dma_wait3A_303 = tpu.memref_slice %arg5[%add3A_301, %dma_wait3A_302] : memref<32768x1024xf32, #tpu.memory_space<hbm>> -> memref<16x1024xf32, #tpu.memory_space<hbm>>
          %dma_wait3A_304 = arith.constant 0 : i32
          %dma_wait3A_305 = tpu.memref_slice %arg5[%add3A_301, %dma_wait3A_304] : memref<32768x1024xf32, #tpu.memory_space<hbm>> -> memref<16x1024xf32, #tpu.memory_space<hbm>>
          tpu.wait_dma2 semaphore(%arg17 : memref<!tpu.dma_semaphore, #tpu.memory_space<semaphore_mem>>) src(%arg9 : memref<16x1024xf32, #tpu.memory_space<vmem>>) dst(%dma_wait3A_305 : memref<16x1024xf32, #tpu.memory_space<hbm>>)
        } else {
        }
        %add3A_285 = arith.constant 4 : i32
        %add3A_286 = arith.addi %add3A_198, %add3A_285 : i32
        %sub3A_287 = arith.constant 1 : i32
        %sub3A_288 = arith.subi %add3A_286, %sub3A_287 : i32
        %dma_start3A_289 = arith.constant 0 : i32
        %dma_start3A_290 = tpu.memref_slice %arg6[%sub3A_288, %dma_start3A_289] : memref<64x16xi32, #tpu.memory_space<vmem>> -> memref<1x16xi32, #tpu.memory_space<vmem>>
        %dma_start3A_291 = tpu.memref_squeeze %dma_start3A_290 : memref<1x16xi32, #tpu.memory_space<vmem>> -> memref<16xi32, #tpu.memory_space<vmem>>
        %dma_start3A_292 = arith.constant 0 : i32
        %dma_start3A_293 = arith.constant 0 : i32
        %dma_start3A_294 = tpu.memref_slice %arg4[%dma_start3A_292, %dma_start3A_293] : memref<8192x1024xf32, #tpu.memory_space<hbm>> -> memref<8192x1024xf32, #tpu.memory_space<hbm>>
        tpu.enqueue_indirect_dma source(%dma_start3A_294 : memref<8192x1024xf32, #tpu.memory_space<hbm>>) target(%arg9 : memref<16x1024xf32, #tpu.memory_space<vmem>>) offsets(%dma_start3A_291 : memref<16xi32, #tpu.memory_space<vmem>>) semaphore(%arg13 : memref<!tpu.dma_semaphore, #tpu.memory_space<semaphore_mem>>)
      } else {
      }
      %mul3A_223 = arith.constant 4 : i32
      %mul3A_224 = arith.muli %scan3A_141, %mul3A_223 : i32
      %add3A_225 = arith.constant 3 : i32
      %add3A_226 = arith.addi %mul3A_224, %add3A_225 : i32
      %dma_wait3A_227 = arith.constant 0 : i32
      %dma_wait3A_228 = tpu.memref_slice %arg6[%add3A_226, %dma_wait3A_227] : memref<64x16xi32, #tpu.memory_space<vmem>> -> memref<1x16xi32, #tpu.memory_space<vmem>>
      %dma_wait3A_229 = tpu.memref_squeeze %dma_wait3A_228 : memref<1x16xi32, #tpu.memory_space<vmem>> -> memref<16xi32, #tpu.memory_space<vmem>>
      %dma_wait3A_230 = arith.constant 0 : i32
      %dma_wait3A_231 = arith.constant 0 : i32
      %dma_wait3A_232 = tpu.memref_slice %arg4[%dma_wait3A_230, %dma_wait3A_231] : memref<8192x1024xf32, #tpu.memory_space<hbm>> -> memref<8192x1024xf32, #tpu.memory_space<hbm>>
      tpu.wait_indirect_dma semaphore(%arg15 : memref<!tpu.dma_semaphore, #tpu.memory_space<semaphore_mem>>) src(%dma_wait3A_232 : memref<8192x1024xf32, #tpu.memory_space<hbm>>) dst(%arg11 : memref<16x1024xf32, #tpu.memory_space<vmem>>)
      %mul3A_233 = arith.constant 1024 : i32
      %mul3A_234 = arith.muli %add3A, %mul3A_233 : i32
      %mul3A_235 = arith.constant 16 : i32
      %mul3A_236 = arith.muli %add3A_226, %mul3A_235 : i32
      %add3A_237 = arith.addi %mul3A_234, %mul3A_236 : i32
      %dma_start3A_238 = arith.constant 0 : i32
      %dma_start3A_239 = tpu.memref_slice %arg5[%add3A_237, %dma_start3A_238] : memref<32768x1024xf32, #tpu.memory_space<hbm>> -> memref<16x1024xf32, #tpu.memory_space<hbm>>
      %dma_start3A_240 = arith.constant 0 : i32
      %dma_start3A_241 = tpu.memref_slice %arg5[%add3A_237, %dma_start3A_240] : memref<32768x1024xf32, #tpu.memory_space<hbm>> -> memref<16x1024xf32, #tpu.memory_space<hbm>>
      tpu.enqueue_dma source(%arg11 : memref<16x1024xf32, #tpu.memory_space<vmem>>) target(%dma_start3A_241 : memref<16x1024xf32, #tpu.memory_space<hbm>>) target_semaphore(%arg19 : memref<!tpu.dma_semaphore, #tpu.memory_space<semaphore_mem>>)
      %add3A_242 = arith.constant 4 : i32
      %add3A_243 = arith.addi %add3A_226, %add3A_242 : i32
      %sub3A_244 = arith.constant 1 : i32
      %sub3A_245 = arith.subi %add3A_243, %sub3A_244 : i32
      %lt3A_246 = arith.constant 64 : i32
      %lt3A_247 = arith.cmpi slt, %sub3A_245, %lt3A_246 : i32
      %convert_element_type3A_248 = arith.extui %lt3A_247 : i1 to i32
      %cond3A_249 = arith.constant 0 : i32
      %cond3A_250 = arith.cmpi ne, %convert_element_type3A_248, %cond3A_249 : i32
      scf.if %cond3A_250 {
        %add3A_252 = arith.constant 4 : i32
        %add3A_253 = arith.addi %add3A_226, %add3A_252 : i32
        %sub3A_254 = arith.constant 1 : i32
        %sub3A_255 = arith.subi %add3A_253, %sub3A_254 : i32
        %get3A_256 = arith.index_cast %sub3A_255 : i32 to index
        %get3A_257 = arith.constant 0 : index
        %get3A_258 = tpu.vector_load %arg6[%get3A_256, %get3A_257] {strides = array<i32>} : memref<64x16xi32, #tpu.memory_space<vmem>>, vector<1x16xi32>,
        %get3A_259 = vector.shape_cast %get3A_258 : vector<1x16xi32> to vector<16xi32>
        %max3A_260 = arith.maxsi %get3A_259, %broadcast_in_dim3A_3 : vector<16xi32>
        %broadcast_in_dim3A_261 = arith.constant 4095 : i32
        %broadcast_in_dim3A_262 = vector.broadcast %broadcast_in_dim3A_261 : i32 to vector<16xi32>
        %min3A_263 = arith.minsi %max3A_260, %broadcast_in_dim3A_262 : vector<16xi32>
        %get3A_264 = arith.index_cast %sub3A_255 : i32 to index
        %get3A_265 = arith.constant 0 : index
        %get3A_266 = tpu.vector_load %arg7[%get3A_264, %get3A_265] {strides = array<i32>} : memref<64x16xi32, #tpu.memory_space<vmem>>, vector<1x16xi32>,
        %get3A_267 = vector.shape_cast %get3A_266 : vector<1x16xi32> to vector<16xi32>
        %max3A_268 = arith.maxsi %get3A_267, %broadcast_in_dim3A_3 : vector<16xi32>
        %broadcast_in_dim3A_269 = arith.constant 1 : i32
        %broadcast_in_dim3A_270 = vector.broadcast %broadcast_in_dim3A_269 : i32 to vector<16xi32>
        %min3A_271 = arith.minsi %max3A_268, %broadcast_in_dim3A_270 : vector<16xi32>
        %mul3A_272 = arith.constant 4096 : i32
        %mul3A_273 = vector.broadcast %mul3A_272 : i32 to vector<16xi32>
        %mul3A_274 = arith.muli %min3A_271, %mul3A_273 : vector<16xi32>
        %add3A_275 = arith.addi %min3A_263, %mul3A_274 : vector<16xi32>
        %swap3A_276 = arith.index_cast %sub3A_255 : i32 to index
        %swap3A_277 = arith.constant 0 : index
        %swap3A_278 = tpu.vector_load %arg6[%swap3A_276, %swap3A_277] {strides = array<i32>} : memref<64x16xi32, #tpu.memory_space<vmem>>, vector<1x16xi32>,
        %swap3A_279 = vector.shape_cast %swap3A_278 : vector<1x16xi32> to vector<16xi32>
        %swap3A_280 = vector.shape_cast %add3A_275 : vector<16xi32> to vector<1x16xi32>
        tpu.vector_store %arg6[%swap3A_276, %swap3A_277], %swap3A_280 {strides = array<i32>} : memref<64x16xi32, #tpu.memory_space<vmem>>, vector<1x16xi32>,
        %ge3A = arith.constant 1 : i32
        %ge3A_281 = arith.cmpi sge, %add3A_226, %ge3A : i32
        %convert_element_type3A_282 = arith.extui %ge3A_281 : i1 to i32
        %cond3A_283 = arith.constant 0 : i32
        %cond3A_284 = arith.cmpi ne, %convert_element_type3A_282, %cond3A_283 : i32
        scf.if %cond3A_284 {
          %sub3A_295 = arith.constant 1 : i32
          %sub3A_296 = arith.subi %add3A_226, %sub3A_295 : i32
          %mul3A_297 = arith.constant 1024 : i32
          %mul3A_298 = arith.muli %add3A, %mul3A_297 : i32
          %mul3A_299 = arith.constant 16 : i32
          %mul3A_300 = arith.muli %sub3A_296, %mul3A_299 : i32
          %add3A_301 = arith.addi %mul3A_298, %mul3A_300 : i32
          %dma_wait3A_302 = arith.constant 0 : i32
          %dma_wait3A_303 = tpu.memref_slice %arg5[%add3A_301, %dma_wait3A_302] : memref<32768x1024xf32, #tpu.memory_space<hbm>> -> memref<16x1024xf32, #tpu.memory_space<hbm>>
          %dma_wait3A_304 = arith.constant 0 : i32
          %dma_wait3A_305 = tpu.memref_slice %arg5[%add3A_301, %dma_wait3A_304] : memref<32768x1024xf32, #tpu.memory_space<hbm>> -> memref<16x1024xf32, #tpu.memory_space<hbm>>
          tpu.wait_dma2 semaphore(%arg18 : memref<!tpu.dma_semaphore, #tpu.memory_space<semaphore_mem>>) src(%arg10 : memref<16x1024xf32, #tpu.memory_space<vmem>>) dst(%dma_wait3A_305 : memref<16x1024xf32, #tpu.memory_space<hbm>>)
        } else {
        }
        %add3A_285 = arith.constant 4 : i32
        %add3A_286 = arith.addi %add3A_226, %add3A_285 : i32
        %sub3A_287 = arith.constant 1 : i32
        %sub3A_288 = arith.subi %add3A_286, %sub3A_287 : i32
        %dma_start3A_289 = arith.constant 0 : i32
        %dma_start3A_290 = tpu.memref_slice %arg6[%sub3A_288, %dma_start3A_289] : memref<64x16xi32, #tpu.memory_space<vmem>> -> memref<1x16xi32, #tpu.memory_space<vmem>>
        %dma_start3A_291 = tpu.memref_squeeze %dma_start3A_290 : memref<1x16xi32, #tpu.memory_space<vmem>> -> memref<16xi32, #tpu.memory_space<vmem>>
        %dma_start3A_292 = arith.constant 0 : i32
        %dma_start3A_293 = arith.constant 0 : i32
        %dma_start3A_294 = tpu.memref_slice %arg4[%dma_start3A_292, %dma_start3A_293] : memref<8192x1024xf32, #tpu.memory_space<hbm>> -> memref<8192x1024xf32, #tpu.memory_space<hbm>>
        tpu.enqueue_indirect_dma source(%dma_start3A_294 : memref<8192x1024xf32, #tpu.memory_space<hbm>>) target(%arg10 : memref<16x1024xf32, #tpu.memory_space<vmem>>) offsets(%dma_start3A_291 : memref<16xi32, #tpu.memory_space<vmem>>) semaphore(%arg14 : memref<!tpu.dma_semaphore, #tpu.memory_space<semaphore_mem>>)
      } else {
      }
      %scan3A_251 = arith.constant 0 : i32
      scf.yield %scan3A_251 : i32
    }
    %scan3A_109 = arith.constant 16 : i32
    %mul3A_110 = arith.constant 1024 : i32
    %mul3A_111 = arith.muli %add3A, %mul3A_110 : i32
    %add3A_112 = arith.constant 960 : i32
    %add3A_113 = arith.addi %mul3A_111, %add3A_112 : i32
    %dma_wait3A = arith.constant 0 : i32
    %dma_wait3A_114 = tpu.memref_slice %arg5[%add3A_113, %dma_wait3A] : memref<32768x1024xf32, #tpu.memory_space<hbm>> -> memref<16x1024xf32, #tpu.memory_space<hbm>>
    %dma_wait3A_115 = arith.constant 0 : i32
    %dma_wait3A_116 = tpu.memref_slice %arg5[%add3A_113, %dma_wait3A_115] : memref<32768x1024xf32, #tpu.memory_space<hbm>> -> memref<16x1024xf32, #tpu.memory_space<hbm>>
    tpu.wait_dma2 semaphore(%arg16 : memref<!tpu.dma_semaphore, #tpu.memory_space<semaphore_mem>>) src(%arg8 : memref<16x1024xf32, #tpu.memory_space<vmem>>) dst(%dma_wait3A_116 : memref<16x1024xf32, #tpu.memory_space<hbm>>)
    %mul3A_117 = arith.constant 1024 : i32
    %mul3A_118 = arith.muli %add3A, %mul3A_117 : i32
    %add3A_119 = arith.constant 976 : i32
    %add3A_120 = arith.addi %mul3A_118, %add3A_119 : i32
    %dma_wait3A_121 = arith.constant 0 : i32
    %dma_wait3A_122 = tpu.memref_slice %arg5[%add3A_120, %dma_wait3A_121] : memref<32768x1024xf32, #tpu.memory_space<hbm>> -> memref<16x1024xf32, #tpu.memory_space<hbm>>
    %dma_wait3A_123 = arith.constant 0 : i32
    %dma_wait3A_124 = tpu.memref_slice %arg5[%add3A_120, %dma_wait3A_123] : memref<32768x1024xf32, #tpu.memory_space<hbm>> -> memref<16x1024xf32, #tpu.memory_space<hbm>>
    tpu.wait_dma2 semaphore(%arg17 : memref<!tpu.dma_semaphore, #tpu.memory_space<semaphore_mem>>) src(%arg9 : memref<16x1024xf32, #tpu.memory_space<vmem>>) dst(%dma_wait3A_124 : memref<16x1024xf32, #tpu.memory_space<hbm>>)
    %mul3A_125 = arith.constant 1024 : i32
    %mul3A_126 = arith.muli %add3A, %mul3A_125 : i32
    %add3A_127 = arith.constant 992 : i32
    %add3A_128 = arith.addi %mul3A_126, %add3A_127 : i32
    %dma_wait3A_129 = arith.constant 0 : i32
    %dma_wait3A_130 = tpu.memref_slice %arg5[%add3A_128, %dma_wait3A_129] : memref<32768x1024xf32, #tpu.memory_space<hbm>> -> memref<16x1024xf32, #tpu.memory_space<hbm>>
    %dma_wait3A_131 = arith.constant 0 : i32
    %dma_wait3A_132 = tpu.memref_slice %arg5[%add3A_128, %dma_wait3A_131] : memref<32768x1024xf32, #tpu.memory_space<hbm>> -> memref<16x1024xf32, #tpu.memory_space<hbm>>
    tpu.wait_dma2 semaphore(%arg18 : memref<!tpu.dma_semaphore, #tpu.memory_space<semaphore_mem>>) src(%arg10 : memref<16x1024xf32, #tpu.memory_space<vmem>>) dst(%dma_wait3A_132 : memref<16x1024xf32, #tpu.memory_space<hbm>>)
    %mul3A_133 = arith.constant 1024 : i32
    %mul3A_134 = arith.muli %add3A, %mul3A_133 : i32
    %add3A_135 = arith.constant 1008 : i32
    %add3A_136 = arith.addi %mul3A_134, %add3A_135 : i32
    %dma_wait3A_137 = arith.constant 0 : i32
    %dma_wait3A_138 = tpu.memref_slice %arg5[%add3A_136, %dma_wait3A_137] : memref<32768x1024xf32, #tpu.memory_space<hbm>> -> memref<16x1024xf32, #tpu.memory_space<hbm>>
    %dma_wait3A_139 = arith.constant 0 : i32
    %dma_wait3A_140 = tpu.memref_slice %arg5[%add3A_136, %dma_wait3A_139] : memref<32768x1024xf32, #tpu.memory_space<hbm>> -> memref<16x1024xf32, #tpu.memory_space<hbm>>
    tpu.wait_dma2 semaphore(%arg19 : memref<!tpu.dma_semaphore, #tpu.memory_space<semaphore_mem>>) src(%arg11 : memref<16x1024xf32, #tpu.memory_space<vmem>>) dst(%dma_wait3A_140 : memref<16x1024xf32, #tpu.memory_space<hbm>>)
    return
  }
}

module attributes {stable_mosaic.version = 14 : i64} {
  func.func @body(%arg0: i32, %arg1: memref<1024x1024xf32, #tpu.memory_space<vmem>>, %arg2: memref<1x1024xf32, #tpu.memory_space<vmem>>, %arg3: memref<2x1024xf32, #tpu.memory_space<vmem>>, %arg4: memref<2x1024x1024xf32, #tpu.memory_space<vmem>>) attributes {dimension_semantics = [#tpu.dimension_semantics<arbitrary>], iteration_bounds = array<i64: 4>, scalar_prefetch = 0 : i64, scratch_operands = 0 : i64, tpu.core_type = #tpu.core_type<tc>, window_params = [{transform_indices = @transform_0, window_bounds = array<i64: 1024, 1024>}, {pipeline_mode = #tpu.pipeline_mode<synchronous>, transform_indices = @transform_1, window_bounds = array<i64: 1, 1024>}, {pipeline_mode = #tpu.pipeline_mode<synchronous>, transform_indices = @transform_2, window_bounds = array<i64: 2, 1024>}, {transform_indices = @transform_3, window_bounds = array<i64: 2, 1024, 1024>}]} {
    %get3A = arith.constant 0 : index
    %get3A_0 = arith.constant 0 : index
    %get3A_1 = vector.load %arg1[%get3A, %get3A_0] : memref<1024x1024xf32, #tpu.memory_space<vmem>>, vector<1024x1024xf32>
    %get3A_2 = arith.constant 0 : index
    %get3A_3 = arith.constant 0 : index
    %get3A_4 = vector.load %arg2[%get3A_2, %get3A_3] : memref<1x1024xf32, #tpu.memory_space<vmem>>, vector<1x1024xf32>
    %add3A = vector.broadcast %get3A_4 : vector<1x1024xf32> to vector<1024x1024xf32>
    %add3A_5 = arith.addf %get3A_1, %add3A : vector<1024x1024xf32>
    %get3A_6 = arith.constant 0 : index
    %get3A_7 = arith.constant 0 : index
    %get3A_8 = vector.load %arg3[%get3A_6, %get3A_7] : memref<2x1024xf32, #tpu.memory_space<vmem>>, vector<1x1024xf32>
    %add3A_9 = vector.broadcast %get3A_8 : vector<1x1024xf32> to vector<1024x1024xf32>
    %add3A_10 = arith.addf %add3A_5, %add3A_9 : vector<1024x1024xf32>
    %swap3A = arith.constant 0 : index
    %swap3A_11 = arith.constant 0 : index
    %swap3A_12 = arith.constant 0 : index
    %swap3A_13 = vector.load %arg4[%swap3A, %swap3A_11, %swap3A_12] : memref<2x1024x1024xf32, #tpu.memory_space<vmem>>, vector<1x1024x1024xf32>
    %swap3A_14 = vector.shape_cast %swap3A_13 : vector<1x1024x1024xf32> to vector<1024x1024xf32>
    %swap3A_15 = vector.shape_cast %add3A_10 : vector<1024x1024xf32> to vector<1x1024x1024xf32>
    tpu.vector_store %arg4[%swap3A, %swap3A_11, %swap3A_12], %swap3A_15 {strides = array<i32>} : memref<2x1024x1024xf32, #tpu.memory_space<vmem>>, vector<1x1024x1024xf32>,
    %get3A_16 = arith.constant 1 : index
    %get3A_17 = arith.constant 0 : index
    %get3A_18 = vector.load %arg3[%get3A_16, %get3A_17] : memref<2x1024xf32, #tpu.memory_space<vmem>>, vector<1x1024xf32>
    %add3A_19 = vector.broadcast %get3A_18 : vector<1x1024xf32> to vector<1024x1024xf32>
    %add3A_20 = arith.addf %add3A_5, %add3A_19 : vector<1024x1024xf32>
    %swap3A_21 = arith.constant 1 : index
    %swap3A_22 = arith.constant 0 : index
    %swap3A_23 = arith.constant 0 : index
    %swap3A_24 = vector.load %arg4[%swap3A_21, %swap3A_22, %swap3A_23] : memref<2x1024x1024xf32, #tpu.memory_space<vmem>>, vector<1x1024x1024xf32>
    %swap3A_25 = vector.shape_cast %swap3A_24 : vector<1x1024x1024xf32> to vector<1024x1024xf32>
    %swap3A_26 = vector.shape_cast %add3A_20 : vector<1024x1024xf32> to vector<1x1024x1024xf32>
    tpu.vector_store %arg4[%swap3A_21, %swap3A_22, %swap3A_23], %swap3A_26 {strides = array<i32>} : memref<2x1024x1024xf32, #tpu.memory_space<vmem>>, vector<1x1024x1024xf32>,
    return
  }
  func.func @transform_0(%arg0: i32) -> (i32, i32) {
    %c0_i32 = arith.constant 0 : i32
    %c0_i32_0 = arith.constant 0 : i32
    return %arg0, %c0_i32 : i32, i32
  }
  func.func @transform_1(%arg0: i32) -> (i32, i32) {
    %c0_i32 = arith.constant 0 : i32
    %c0_i32_0 = arith.constant 0 : i32
    %c0_i32_1 = arith.constant 0 : i32
    return %c0_i32, %c0_i32_0 : i32, i32
  }
  func.func @transform_2(%arg0: i32) -> (i32, i32) {
    %c0_i32 = arith.constant 0 : i32
    %c0_i32_0 = arith.constant 0 : i32
    %c0_i32_1 = arith.constant 0 : i32
    return %c0_i32, %c0_i32_0 : i32, i32
  }
  func.func @transform_3(%arg0: i32) -> (i32, i32, i32) {
    %c0_i32 = arith.constant 0 : i32
    %c0_i32_0 = arith.constant 0 : i32
    %c0_i32_1 = arith.constant 0 : i32
    return %c0_i32, %arg0, %c0_i32_0 : i32, i32, i32
  }
}

</mosaic_0001>

<sc_bundles>
// kernel: kernel.4.cloned.1.call-start
scs
__scs_entry_jumppad:
0x0: {  	(pc) =	sbr.rel $0x88, $3  }
0x1: {  	(tag) =	ssettag $0x0;
	lr =	simm.s32 $0x1  }
0x2: {  	[smem:$0x3F9C] =	sst lr;
	_ =	strace $0xD0000000  }
0x3: {  	_ = 	snop  }
0x4: {  	_ = 	snop  }
0x5: {  	_ = 	snop  }
0x6: {  	_ = 	snop  }
0x7: {  	_ = 	snop  }
__scs_overlays_trampoline_lowered:
0x8: {  	[smem:$0x3FAB] =	sst s0  }
0x9: {  	[smem:$0x3FAC] =	sst s1  }
0xa: {  	[smem:$0x3FAD] =	sst s2  }
0xb: {  	[smem:$0x3FAE] =	sst s3  }
0xc: {  	[smem:$0x3FAF] =	sst s4  }
0xd: {  	[smem:$0x3FB0] =	sst s5  }
0xe: {  	[smem:$0x3FB1] =	sst s6  }
0xf: {  	[smem:$0x3FB2] =	sst s7  }
0x10: {  	[smem:$0x3FB3] =	sst s8  }
0x11: {  	[smem:$0x3FB4] =	sst s9;
	s0 =	simm.s32 @!p0 $0x0  }
0x12: {  	s1 =	sld [smem:$0x3F9A];
	s0 =	simm.s32 @p0 $0x1  }
0x13: {  	[smem:$0x3FB5] =	sst s0;
	s0 =	simm.s32 @!p1 $0x0  }
0x14: {  	s2 =	sld [smem:$0x3F99];
	s0 =	simm.s32 @p1 $0x1  }
0x15: {  	[smem:$0x3FB6] =	sst s0;
	s0 =	simm.s32 @!p2 $0x0  }
0x16: {  	s3 =	sld [smem:$0x3FDB];
	s0 =	simm.s32 @p2 $0x1  }
0x17: {  	s4 =	simm.s32 $0x1BF5;
	[smem:$0x3FB8] =	sst s0  }
0x18: {  	s0 =	sld [smem:$0x3F9B];
	_ =	swait.ge [sflag:s4], $0x0  }
0x19: {  	s7 =	sld [smem:$0x3F9C]  }
0x1a: {  	s8 =	sadd.s32 $0xFFFFE003, lr  }
0x1b: {  	s9 =	sadd.s32 $0xFFFFFEF7, lr;
	s5 =	simm.s32 $0xFFFFFFFF;
	p2 =	slt.u32 s8, $0xFFFFF086  }
0x1c: {  	p1 =	slt.u32 s9, $0xF7A;
	s5 =	simm.s32 @!p2 $0x0  }
0x1d: {  	s5 =	simm.s32 @p1 $0x1;
	p0 =	seq.s32 s7, s2  }
0x1e: {  	s7 =	smul.u32 @!p0 $0xF7A, s2;
	p2 =	seq.s32 @!p0 s5, $0x0  }
0x1f: {  	s9 =	smul.u32 $0xF7A, s1;
	s8 =	simm.s32 @!p0 $0x1BF5;
	p2 =	por !p2, p0  }
0x20: {  	[sflag:s8] =	ssyncset.s32 @!p0 $0xFFFFF086;
	s6 =	sadd.s32 @!p0 s3, s7;
	s7 =	simm.s32 @!p0 $0x108  }
0x21: {  	s3 =	sadd.s32 s3, s9;
	s6 =	sadd.s32 @!p0 $0x88, s6;
	s7 =	simm.s32 @p2 $0x1082  }
0x22: {  	[simem:s7], [sflag:s8] =	dma.local @!p0 [hbm:s6], $0xF7A  }
0x23: {  	s9 =	sor.u32 $0xD0000000, s2;
	s6 =	simm.s32 $0x108;
	_ =	swait.ge @!p0 [sflag:s8], $0x0  }
0x24: {  	s3 =	sadd.s32 $0x88, s3;
	s6 =	simm.s32 @!p1 $0x1082;
	[sflag:s4] =	ssyncset.s32 $0xFFFFF086  }
0x25: {  	[simem:s6], [sflag:s4] =	dma.local [hbm:s3], $0xF7A  }
0x26: {  	[smem:$0x3F9C] =	sst s1;
	(tag) =	ssettag s2;
	_ =	strace s9  }
0x27: {  	s1 =	sld [smem:$0x3FAC]  }
0x28: {  	s2 =	sld [smem:$0x3FAD]  }
0x29: {  	s4 =	sld [smem:$0x3FAF]  }
0x2a: {  	p0 =	seq.s32 s5, $0x0;
	s5 =	sld [smem:$0x3FB0]  }
0x2b: {  	s6 =	sld [smem:$0x3FB1]  }
0x2c: {  	s7 =	sld [smem:$0x3FB2]  }
0x2d: {  	s3 =	simm.s32 $0x108;
	s8 =	sld [smem:$0x3FB3]  }
0x2e: {  	s3 =	simm.s32 @!p0 $0x1082;
	s9 =	sld [smem:$0x3FB4]  }
0x2f: {  	lr =	sadd.s32 s0, s3;
	s0 =	sld [smem:$0x3FAB]  }
0x30: {  	s3 =	sld [smem:$0x3FAE]  }
0x31: {  	[smem:$0x3FB7] =	sst s10  }
0x32: {  	s10 =	sld [smem:$0x3FB5];
	_ =	sdelay $0x3  }
0x33: {  	p0 =	seq.s32 s10, $0x1;
	s10 =	sld [smem:$0x3FB7];
	_ =	sdelay $0x3  }
0x34: {  	[smem:$0x3FB7] =	sst s10  }
0x35: {  	s10 =	sld [smem:$0x3FB6];
	_ =	sdelay $0x3  }
0x36: {  	p1 =	seq.s32 s10, $0x1;
	s10 =	sld [smem:$0x3FB7];
	_ =	sdelay $0x3  }
0x37: {  	[smem:$0x3FB7] =	sst s10  }
0x38: {  	s10 =	sld [smem:$0x3FB8]  }
0x39: {  	_ = 	snop;
	(pc) =	sbr.ind lr, $3  }
0x3a: {  	_ = 	snop  }
0x3b: {  	_ = 	snop  }
0x3c: {  	p2 =	seq.s32 s10, $0x1;
	s10 =	sld [smem:$0x3FB7]  }
0x3d: {  	_ =	shalt  }
0x3e: {  	_ =	shalt  }
0x3f: {  	_ =	shalt  }
0x40: {  	_ =	shalt  }
0x41: {  	_ =	shalt  }
0x42: {  	_ =	shalt  }
0x43: {  	_ =	shalt  }
0x44: {  	_ =	shalt  }
0x45: {  	_ =	shalt  }
0x46: {  	_ =	shalt  }
0x47: {  	_ =	shalt  }
0x48: {  	_ =	shalt  }
0x49: {  	_ =	shalt  }
0x4a: {  	_ =	shalt  }
0x4b: {  	_ =	shalt  }
0x4c: {  	_ =	shalt  }
0x4d: {  	_ =	shalt  }
0x4e: {  	_ =	shalt  }
0x4f: {  	_ =	shalt  }
0x50: {  	_ =	shalt  }
0x51: {  	_ =	shalt  }
0x52: {  	_ =	shalt  }
0x53: {  	_ =	shalt  }
0x54: {  	_ =	shalt  }
0x55: {  	_ =	shalt  }
0x56: {  	_ =	shalt  }
0x57: {  	_ =	shalt  }
0x58: {  	_ =	shalt  }
0x59: {  	_ =	shalt  }
0x5a: {  	_ =	shalt  }
0x5b: {  	_ =	shalt  }
0x5c: {  	_ =	shalt  }
0x5d: {  	_ =	shalt  }
0x5e: {  	_ =	shalt  }
0x5f: {  	_ =	shalt  }
0x60: {  	_ =	shalt  }
0x61: {  	_ =	shalt  }
0x62: {  	_ =	shalt  }
0x63: {  	_ =	shalt  }
0x64: {  	_ =	shalt  }
0x65: {  	_ =	shalt  }
0x66: {  	_ =	shalt  }
0x67: {  	_ =	shalt  }
0x68: {  	_ =	shalt  }
0x69: {  	_ =	shalt  }
0x6a: {  	_ =	shalt  }
0x6b: {  	_ =	shalt  }
0x6c: {  	_ =	shalt  }
0x6d: {  	_ =	shalt  }
0x6e: {  	_ =	shalt  }
0x6f: {  	_ =	shalt  }
0x70: {  	_ =	shalt  }
0x71: {  	_ =	shalt  }
0x72: {  	_ =	shalt  }
0x73: {  	_ =	shalt  }
0x74: {  	_ =	shalt  }
0x75: {  	_ =	shalt  }
0x76: {  	_ =	shalt  }
0x77: {  	_ =	shalt  }
0x78: {  	_ =	shalt  }
0x79: {  	_ =	shalt  }
0x7a: {  	_ =	shalt  }
0x7b: {  	_ =	shalt  }
0x7c: {  	_ =	shalt  }
0x7d: {  	_ =	shalt  }
0x7e: {  	_ =	shalt  }
0x7f: {  	_ =	shalt  }
0x80: {  	_ =	shalt  }
0x81: {  	_ =	shalt  }
0x82: {  	_ =	shalt  }
0x83: {  	_ =	shalt  }
0x84: {  	_ =	shalt  }
0x85: {  	_ =	shalt  }
0x86: {  	_ =	shalt  }
0x87: {  	_ =	shalt  }
.Lfunc_end0:
.L_simem_size_0:
called_computation_lowered:
.L_overlay_start_0:
0x88: {  	s2 =	sld [smem:$0x3FD9]  }
0x89: {  	s3 =	sld [smem:$0x3FFE];
	_ =	sdelay $0x1  }
0x8a: {  	s1 =	srdreg.scid  }
0x8b: {  	s0 =	sand.u32 $0x1, s1  }
0x8c: {  	s17 =	sshll.u32 s0, $0xA;
	s2 =	sadd.s32 s3, s2  }
0x8d: {  	s2 =	sadd.s32 s2, s17  }
0x8e: {  	[smem:$0x3FC3] =	sst s2  }
0x8f: {  	_ = 	snop  }
0x90: {  	s2 =	sld [smem:$0x3FD0];
	(tm) =	ssettm $0x1  }
0x91: {  	s18 =	sld [smem:$0x3FFB];
	_ =	sdelay $0x3  }
0x92: {  	_ =	strace s18  }
0x93: {  	s3 =	sld [smem:$0x3FFC];
	_ =	sdelay $0x3  }
0x94: {  	_ =	strace s3  }
0x95: {  	s3 =	sld [smem:$0x3FFD];
	_ =	sdelay $0x3  }
0x96: {  	_ =	strace s3  }
0x97: {  	_ =	strace $0x8FFFFFFF  }
0x98: {  	s19 =	sld [smem:$0x3FDB];
	_ =	sdelay $0x1  }
0x99: {  	s4 =	simm.s32 $_scs_section_size  }
0x9a: {  	s5 =	simm.s32 $_size__tile_overlayer_lowered;
	s6 =	simm.s32 $_tile_overlayer_lowered  }
0x9b: {  	s22 =	simm.s32 $0x1BFF;
	s21 =	sshll.u32 s6, $0x1;
	s3 =	sadd.s32 s4, s19  }
0x9c: {  	s7 =	simm.s32 $0x0;
	s20 =	sshll.u32 s5, $0x1;
	s5 =	sadd.s32 s21, s3  }
0x9d: {  	[timem:s7], [sflag:s22] =	dma.local [hbm:s5], s20  }
0x9e: {  	_ =	swait.ge [sflag:s22], s20  }
0x9f: {  	s4 =	ssub.s32 $0x0, s20;
	[sflag:s22] =	ssyncset.done $0x0  }
0xa0: {  	[sflag:s22] =	ssyncadd.s32 s4;
	_ =	sdelay $0x1  }
0xa1: {  	s23 =	simm.s32 $0x1B8B  }
0xa2: {  	_ =	swait.ge [sflag:s23], $0x1  }
0xa3: {  	[sflag:s23] =	ssyncset.done $0x0  }
0xa4: {  	s25 =	simm.s32 $0x1B8E;
	s24 =	sld [smem:$0x3FFE];
	[sflag:s23] =	ssyncadd.s32 $0xFFFFFFFF  }
0xa5: {  	s26 =	simm.s32 $execute0_lowered;
	[smem:$0x3FD2] =	sst s25  }
0xa6: {  	s5 =	sshll.u32 s26, $0x1;
	_ =	strace $0x80000046;
	[dreg:$0x1] =	wrdreg $0xFFFFFFFF  }
0xa7: {  	s28 =	simm.s32 $_size_execute0_lowered;
	s3 =	sadd.s32 s3, s5;
	[dreg:$0x0] =	wrdreg $0x0  }
0xa8: {  	s5 =	sshll.u32 s28, $0x1;
	[dreg:$0x2] =	wrdreg s3  }
0xa9: {  	[dreg:$0x3] =	wrdreg s5  }
0xaa: {  	[dreg:$0x4] =	wrdreg $0xC0  }
0xab: {  	_ =	task [dreg:s7], $0x5FFFF  }
0xac: {  	[dreg:$0x1] =	wrdreg $0xFFFFFFFF  }
0xad: {  	[dreg:$0x0] =	wrdreg $0x60  }
0xae: {  	[dreg:$0x2] =	wrdreg s24  }
0xaf: {  	[dreg:$0x3] =	wrdreg s2  }
0xb0: {  	[dreg:$0x4] =	wrdreg $0x9  }
0xb1: {  	_ =	task.clear_ibuf [dreg:s7], $0x5FFFF;
	_ =	strace $0x90000046  }
0xb2: {  	s29 =	simm.s32 $0x9;
	_ =	strace $0x80000048  }
0xb3: {  	_ =	swait.ge [sflag:s29], $0x1  }
0xb4: {  	[sflag:s29] =	ssyncadd.s32 $0xFFFFFFFF  }
0xb5: {  	_ =	strace $0x90000048  }
0xb6: {  	_ =	sfence  }
0xb7: {  	s30 =	sld [smem:$0x0];
	_ =	sdelay $0x2  }
0xb8: {  	s31 =	sshll.u32 s1, $0xD;
	s1 =	sshrl.u32 s1, $0x2  }
0xb9: {  	s3 =	sand.u32 $0x4000, s31;
	s1 =	sadd.s32 s1, s30  }
0xba: {  	s0 =	sor.u32 s3, s0;
	s1 =	sshll.u32 s1, $0x11  }
0xbb: {  	s0 =	sor.u32 s1, s0  }
0xbc: {  	s0 =	sadd.s32 $0x8F2B, s0  }
0xbd: {  	[sflag:s0] =	ssyncadd.remote.s32 $0x1  }
0xbe: {  	_ =	sfence.sel $0xFFFF  }
0xbf: {  	[dreg:$0x0] =	wrdreg $0xFFFFFFFF;
	(pc) =	sbr.abs _section_cstart, $3  }
0xc0: {  	[dreg:$0x1] =	wrdreg $0xFFFFFFFF  }
0xc1: {  	_ =	task.clear_ibuf [dreg:s7], $0x2FFFF;
	_ =	strace $0x9FFFFFFF  }
0xc2: {  	(tm) =	ssettm $0x7FFFFFFF  }
0xc3: {  	_ =	shalt  }
tec
execute0_lowered:
.L_overlay_start_1:
0x0: {  	(tag) =	ssettag $0x1  }
0x1: {  	s0 =	rddreg [dreg:$0x0]  }
0x2: {  	s1 =	rddreg [dreg:$0x1];
	s3 =	srdreg.scid  }
0x3: {  	s2 =	simm.s32 $0x0;
	s8 =	stileid.u32;
	s13 =	simm.s32 $0x4000  }
0x4: {  	s21 =	simm.s32 $0x8000;
	s30 =	simm.s32 $0xC000;
	s11 =	simm.s32 $0x1  }
0x5: {  	s14 =	simm.s32 $0x10000;
	s15 =	simm.s32 $0x10800;
	s16 =	simm.s32 $0x11000  }
0x6: {  	s17 =	simm.s32 $0x11800;
	s18 =	simm.s32 $0x12000;
	s19 =	simm.s32 $0x12800  }
0x7: {  	s20 =	simm.s32 $0x13000;
	s28 =	simm.s32 $0x6;
	s29 =	simm.s32 $0x7  }
0x8: {  	s4 =	sand.u32 $0x1, s3;
	[smem:$0x7FF] =	sst s2;
	s22 =	sshll.u32 s8, $0xB  }
0x9: {  	s9 =	sshll.u32 s8, $0x12;
	s8 =	sadd.s32 $0x10D00, s0;
	s5 =	sshll.u32 s4, $0xA  }
0xa: {  	_ =	strace $0x80000047;
	s23 =	ssub.s32 $0x2, s4;
	s25 =	sadd.s32 s9, s1  }
0xb: {  	s26 =	sshll.u32 s4, $0x11;
	s9 =	simm.s32 $0xF800;
	s4 =	simm.s32 $0x0  }
0xc: {  	s3 =	sor.u32 s5, s22;
	s7 =	sshrl.u32 s23, $0x1;
	s10 =	sadd.s32 s26, s25  }
0xd: {  	s22 =	simm.s32 $0x13800;
	s25 =	simm.s32 $0x4;
	s26 =	simm.s32 $0x5  }
.Ltmp0:
0xe: {  	s6 =	sadd.s32 s3, s0;
	s3 =	sadd.s32 $0x10A00, s0;
	(pc) =	sbr.rel .LBB2_1-.Ltmp0, $4  }
0xf: {  	s5 =	ssub.s32 s23, s7;
	s7 =	sadd.s32 $0x10C00, s0;
	s24 =	sadd.s32 $0xA00, s6  }
0x10: {  	v3 =	vlaneseq.u32;
	s23 =	simm.s32 $0x2;
	s6 =	sadd.s32 $0x8A00, s6;
	[dreg:$0x3] =	wrdreg s24  }
0x11: {  	v0 =	vimm.s32 $0x0;
	vm0 =	vmmov $0xffff;
	v2 =	vshrl.u32 v3, $0x3;
	s31 =	smax.u32 s5, $0x1;
	s5 =	simm.s32 $0xC800;
	[dreg:$0x4] =	wrdreg s6  }
0x12: {  	v1 =	vand.u32 $0x7, v3;
	v3 =	vor.u32 $0x8, v3;
	v2 =	vmul.u32 $0x8, v2;
	s6 =	sadd.s32 $0x10B00, s0;
	[dreg:$0x5] =	wrdreg s31;
	s24 =	simm.s32 $0x3  }
.LBB2_7:
0x13: {  	_ =	swait.ge [sflag:s26], $0x4000  }
0x14: {  	[sflag:s26] =	ssyncset.done $0x0  }
0x15: {  	[sflag:s26] =	ssyncadd.s32 $0xFFFFC000  }
0x16: {  	_ =	swait.ge [sflag:s28], $0x4000  }
0x17: {  	[sflag:s28] =	ssyncset.done $0x0  }
0x18: {  	[sflag:s28] =	ssyncadd.s32 $0xFFFFC000  }
0x19: {  	_ =	swait.ge [sflag:s29], $0x4000  }
0x1a: {  	[sflag:s29] =	ssyncset.done $0x0  }
0x1b: {  	s1 =	simm.s32 $0x8;
	[sflag:s29] =	ssyncadd.s32 $0xFFFFC000  }
0x1c: {  	_ =	swait.ge [sflag:s1], $0x4000  }
0x1d: {  	s4 =	rddreg [dreg:$0x6]  }
0x1e: {  	s0 =	rddreg [dreg:$0x5];
	s4 =	sadd.s32 $0x1, s4  }
0x1f: {  	p0 =	sne.s32 s4, s0  }
.Ltmp1:
0x20: {  	_ = 	snop;
	(pc) =	sbr.rel @!p0 .LBB2_8-.Ltmp1, $3  }
0x21: {  	_ =	sdelay $0x1  }
0x22: {  	[sflag:s1] =	ssyncset.done $0x0  }
0x23: {  	[sflag:s1] =	ssyncadd.s32 $0xFFFFC000  }
.LBB2_1:
0x24: {  	[dreg:$0x6] =	wrdreg s4  }
0x25: {  	s0 =	rddreg [dreg:$0x3];
	s1 =	simm.s32 $0x9  }
0x26: {  	[tilespmem:s2], [sflag:$0x9] =	stream.linear.gather [hbm4b:s0+s2], $0x2000, $0x38;
	[tilespmem:$0x14000] =	vst v63  }
0x27: {  	_ =	swait.ge [sflag:s1], $0x2000  }
0x28: {  	[sflag:s1] =	ssyncset.done $0x0  }
0x29: {  	s12 =	simm.s32 $0x2000;
	s4 =	rddreg [dreg:$0x4];
	[sflag:s1] =	ssyncadd.s32 $0xFFFFE000  }
0x2a: {  	[tilespmem:s12], [sflag:$0x9] =	stream.linear.gather [hbm4b:s4+s2], $0x2000, $0x38;
	[tilespmem:$0x14000] =	vst v63  }
0x2b: {  	_ =	swait.ge [sflag:s1], $0x2000  }
0x2c: {  	[sflag:s1] =	ssyncset.done $0x0  }
0x2d: {  	[sflag:s1] =	ssyncadd.s32 $0xFFFFE000  }
0x2e: {  	v4 =	vld [tilespmem:$0x0]  }
0x2f: {  	v5 =	vld [tilespmem:$0x2000];
	_ =	sdelay $0x3  }
0x30: {  	vm1 =	vgt.s32 v4, $0x0  }
0x31: {  	v4 =	vnsel vm1, $0x0, v4;
	vm1 =	vgt.s32 v5, $0x0  }
0x32: {  	v6 =	vld [tilespmem:$0x80];
	v4 =	vmin.u32 v4, $0xFFF;
	v5 =	vsel vm1, $0x1000, v0  }
0x33: {  	v7 =	vld [tilespmem:$0x100];
	v5 =	vor.u32 v4, v5  }
0x34: {  	v8 =	vld [tilespmem:$0x2080];
	v9 =	vshll.u32 v5, $0x3  }
0x35: {  	v10 =	vld [tilespmem:$0x2100];
	v4 =	vand.u32 $0x7, v4;
	v9 =	vand.u32 $0xFFC0, v9  }
0x36: {  	v4 =	vor.u32 v4, v9  }
0x37: {  	vm1 =	vgt.s32 v6, $0x0;
	v9 =	vperm.xlane v4, v1  }
0x38: {  	v6 =	vnsel vm1, $0x0, v6;
	vm1 =	vgt.s32 v7, $0x0  }
0x39: {  	v7 =	vnsel vm1, $0x0, v7;
	vm1 =	vgt.s32 v8, $0x0;
	v60 =	vadd.s32 v2, v9  }
0x3a: {  	v6 =	vmin.u32 v6, $0xFFF;
	v61 =	vsel vm1, $0x1000, v0;
	vm1 =	vgt.s32 v10, $0x0  }
0x3b: {  	[tilespmem:$0x0] =	vst v5;
	v62 =	vmin.u32 v7, $0xFFF;
	v5 =	vor.u32 v6, v61;
	v63 =	vsel vm1, $0x1000, v0  }
0x3c: {  	[tilespmem:$0x80] =	vst v5;
	v5 =	vor.u32 v62, v63  }
0x3d: {  	[tilespmem:$0x100] =	vst v5  }
0x3e: {  	[tilespmem:s13], [sflag:$0x1] =	stream.indirect_vreg.gather [hbm4b:s3+s2], $0x80, v60, vm0, $0xb8;
	[tilespmem:$0x14000] =	vst v63  }
0x3f: {  	s12 =	simm.s32 $0x4800;
	v4 =	vperm.xlane v4, v3  }
0x40: {  	[tilespmem:s12], [sflag:$0x1] =	stream.indirect_vreg.gather [hbm4b:s6+s2], $0x80, v60, vm0, $0xb8;
	[tilespmem:$0x14000] =	vst v63  }
0x41: {  	s1 =	simm.s32 $0x5000;
	v4 =	vadd.s32 v2, v4  }
0x42: {  	[tilespmem:s1], [sflag:$0x1] =	stream.indirect_vreg.gather [hbm4b:s7+s2], $0x80, v60, vm0, $0xb8;
	[tilespmem:$0x14000] =	vst v63  }
0x43: {  	s4 =	simm.s32 $0x5800  }
0x44: {  	[tilespmem:s4], [sflag:$0x1] =	stream.indirect_vreg.gather [hbm4b:s8+s2], $0x80, v60, vm0, $0xb8;
	[tilespmem:$0x14000] =	vst v63  }
0x45: {  	s12 =	simm.s32 $0x6000  }
0x46: {  	[tilespmem:s12], [sflag:$0x1] =	stream.indirect_vreg.gather [hbm4b:s3+s2], $0x80, v4, vm0, $0xb8;
	[tilespmem:$0x14000] =	vst v63  }
0x47: {  	s1 =	simm.s32 $0x6800  }
0x48: {  	[tilespmem:s1], [sflag:$0x1] =	stream.indirect_vreg.gather [hbm4b:s6+s2], $0x80, v4, vm0, $0xb8;
	[tilespmem:$0x14000] =	vst v63  }
0x49: {  	s4 =	simm.s32 $0x7000  }
0x4a: {  	[tilespmem:s4], [sflag:$0x1] =	stream.indirect_vreg.gather [hbm4b:s7+s2], $0x80, v4, vm0, $0xb8;
	[tilespmem:$0x14000] =	vst v63  }
0x4b: {  	s12 =	simm.s32 $0x7800  }
0x4c: {  	[tilespmem:s12], [sflag:$0x1] =	stream.indirect_vreg.gather [hbm4b:s8+s2], $0x80, v4, vm0, $0xb8;
	[tilespmem:$0x14000] =	vst v63  }
0x4d: {  	v4 =	vld [tilespmem:$0x80];
	_ =	sdelay $0x4  }
0x4e: {  	v5 =	vshll.u32 v4, $0x3  }
0x4f: {  	v4 =	vand.u32 $0x7, v4;
	v5 =	vand.u32 $0xFFFFFFC0, v5  }
0x50: {  	v4 =	vor.u32 v4, v5  }
0x51: {  	v5 =	vperm.xlane v4, v1;
	_ =	sdelay $0x1  }
0x52: {  	v5 =	vadd.s32 v2, v5;
	_ =	sdelay $0x4  }
0x53: {  	[tilespmem:s21], [sflag:$0x2] =	stream.indirect_vreg.gather [hbm4b:s3+s2], $0x80, v5, vm0, $0xb8;
	[tilespmem:$0x14000] =	vst v63  }
0x54: {  	s1 =	simm.s32 $0x8800;
	v4 =	vperm.xlane v4, v3  }
0x55: {  	[tilespmem:s1], [sflag:$0x2] =	stream.indirect_vreg.gather [hbm4b:s6+s2], $0x80, v5, vm0, $0xb8;
	[tilespmem:$0x14000] =	vst v63  }
0x56: {  	s4 =	simm.s32 $0x9000;
	v4 =	vadd.s32 v2, v4  }
0x57: {  	[tilespmem:s4], [sflag:$0x2] =	stream.indirect_vreg.gather [hbm4b:s7+s2], $0x80, v5, vm0, $0xb8;
	[tilespmem:$0x14000] =	vst v63  }
0x58: {  	s12 =	simm.s32 $0x9800  }
0x59: {  	[tilespmem:s12], [sflag:$0x2] =	stream.indirect_vreg.gather [hbm4b:s8+s2], $0x80, v5, vm0, $0xb8;
	[tilespmem:$0x14000] =	vst v63  }
0x5a: {  	s1 =	simm.s32 $0xA000  }
0x5b: {  	[tilespmem:s1], [sflag:$0x2] =	stream.indirect_vreg.gather [hbm4b:s3+s2], $0x80, v4, vm0, $0xb8;
	[tilespmem:$0x14000] =	vst v63  }
0x5c: {  	s4 =	simm.s32 $0xA800  }
0x5d: {  	[tilespmem:s4], [sflag:$0x2] =	stream.indirect_vreg.gather [hbm4b:s6+s2], $0x80, v4, vm0, $0xb8;
	[tilespmem:$0x14000] =	vst v63  }
0x5e: {  	s12 =	simm.s32 $0xB000  }
0x5f: {  	[tilespmem:s12], [sflag:$0x2] =	stream.indirect_vreg.gather [hbm4b:s7+s2], $0x80, v4, vm0, $0xb8;
	[tilespmem:$0x14000] =	vst v63  }
0x60: {  	s1 =	simm.s32 $0xB800  }
0x61: {  	[tilespmem:s1], [sflag:$0x2] =	stream.indirect_vreg.gather [hbm4b:s8+s2], $0x80, v4, vm0, $0xb8;
	[tilespmem:$0x14000] =	vst v63  }
0x62: {  	v4 =	vld [tilespmem:$0x100];
	_ =	sdelay $0x4  }
0x63: {  	v5 =	vshll.u32 v4, $0x3  }
0x64: {  	v4 =	vand.u32 $0x7, v4;
	v5 =	vand.u32 $0xFFFFFFC0, v5  }
0x65: {  	v4 =	vor.u32 v4, v5  }
0x66: {  	v5 =	vperm.xlane v4, v1;
	_ =	sdelay $0x1  }
0x67: {  	v5 =	vadd.s32 v2, v5;
	_ =	sdelay $0x4  }
0x68: {  	[tilespmem:s30], [sflag:$0x3] =	stream.indirect_vreg.gather [hbm4b:s3+s2], $0x80, v5, vm0, $0xb8;
	[tilespmem:$0x14000] =	vst v63  }
0x69: {  	v4 =	vperm.xlane v4, v3  }
0x6a: {  	[tilespmem:s5], [sflag:$0x3] =	stream.indirect_vreg.gather [hbm4b:s6+s2], $0x80, v5, vm0, $0xb8;
	[tilespmem:$0x14000] =	vst v63  }
0x6b: {  	s4 =	simm.s32 $0xD000;
	v4 =	vadd.s32 v2, v4  }
0x6c: {  	[tilespmem:s4], [sflag:$0x3] =	stream.indirect_vreg.gather [hbm4b:s7+s2], $0x80, v5, vm0, $0xb8;
	[tilespmem:$0x14000] =	vst v63  }
0x6d: {  	s12 =	simm.s32 $0xD800  }
0x6e: {  	[tilespmem:s12], [sflag:$0x3] =	stream.indirect_vreg.gather [hbm4b:s8+s2], $0x80, v5, vm0, $0xb8;
	[tilespmem:$0x14000] =	vst v63  }
0x6f: {  	s1 =	simm.s32 $0xE000  }
0x70: {  	[tilespmem:s1], [sflag:$0x3] =	stream.indirect_vreg.gather [hbm4b:s3+s2], $0x80, v4, vm0, $0xb8;
	[tilespmem:$0x14000] =	vst v63  }
0x71: {  	s4 =	simm.s32 $0xE800  }
0x72: {  	[tilespmem:s4], [sflag:$0x3] =	stream.indirect_vreg.gather [hbm4b:s6+s2], $0x80, v4, vm0, $0xb8;
	[tilespmem:$0x14000] =	vst v63  }
0x73: {  	s12 =	simm.s32 $0xF000  }
0x74: {  	[tilespmem:s12], [sflag:$0x3] =	stream.indirect_vreg.gather [hbm4b:s7+s2], $0x80, v4, vm0, $0xb8;
	[tilespmem:$0x14000] =	vst v63  }
0x75: {  	s31 =	simm.s32 $0x2300;
	s0 =	simm.s32 $0x300;
	s1 =	simm.s32 $0x0  }
0x76: {  	[tilespmem:s9], [sflag:$0x3] =	stream.indirect_vreg.gather [hbm4b:s8+s2], $0x80, v4, vm0, $0xb8;
	[tilespmem:$0x14000] =	vst v63  }
.LBB2_2:
0x77: {  	_ =	swait.ge [sflag:s11], $0x4000  }
0x78: {  	[sflag:s11] =	ssyncset.done $0x0  }
0x79: {  	s12 =	sadd.s32 s1, s10;
	[sflag:s11] =	ssyncadd.s32 $0xFFFFC000  }
0x7a: {  	[hbm4b:s12+s2] =	stream.linear.scatter [tilespmem:s13], [sflag:$0x5], $0x4000, $0x38;
	[tilespmem:$0x14000] =	vst v63  }
0x7b: {  	v4 =	vld [tilespmem:s0+$0xFFFFFE80]  }
0x7c: {  	v5 =	vld [tilespmem:s31+$0xFFFFFE80];
	_ =	sdelay $0x3  }
0x7d: {  	vm1 =	vgt.s32 v4, $0x0  }
0x7e: {  	v4 =	vnsel vm1, $0x0, v4;
	vm1 =	vgt.s32 v5, $0x0  }
0x7f: {  	v4 =	vmin.u32 v4, $0xFFF;
	v5 =	vsel vm1, $0x1000, v0  }
0x80: {  	v5 =	vor.u32 v4, v5  }
0x81: {  	v6 =	vshll.u32 v5, $0x3  }
0x82: {  	v4 =	vand.u32 $0x7, v4;
	v6 =	vand.u32 $0xFFC0, v6  }
0x83: {  	v4 =	vor.u32 v4, v6  }
0x84: {  	v6 =	vperm.xlane v4, v1;
	_ =	sdelay $0x1  }
0x85: {  	p0 =	seq.s32 s1, $0x0;
	v6 =	vadd.s32 v2, v6  }
0x86: {  	s4 =	simm.s32 @!p0 $0x8;
	[tilespmem:s0+$0xFFFFFE80] =	vst v5  }
0x87: {  	_ =	swait.ge @!p0 [sflag:s4], $0x4000  }
0x88: {  	[sflag:s4] =	ssyncset.done @!p0 $0x0  }
0x89: {  	[sflag:s4] =	ssyncadd.s32 @!p0 $0xFFFFC000  }
0x8a: {  	[tilespmem:s14], [sflag:$0x4] =	stream.indirect_vreg.gather [hbm4b:s3+s2], $0x80, v6, vm0, $0xb8;
	[tilespmem:$0x14000] =	vst v63  }
0x8b: {  	v4 =	vperm.xlane v4, v3  }
0x8c: {  	[tilespmem:s15], [sflag:$0x4] =	stream.indirect_vreg.gather [hbm4b:s6+s2], $0x80, v6, vm0, $0xb8;
	[tilespmem:$0x14000] =	vst v63  }
0x8d: {  	v4 =	vadd.s32 v2, v4  }
0x8e: {  	[tilespmem:s16], [sflag:$0x4] =	stream.indirect_vreg.gather [hbm4b:s7+s2], $0x80, v6, vm0, $0xb8;
	[tilespmem:$0x14000] =	vst v63  }
0x8f: {  	_ = 	snop  }
0x90: {  	[tilespmem:s17], [sflag:$0x4] =	stream.indirect_vreg.gather [hbm4b:s8+s2], $0x80, v6, vm0, $0xb8;
	[tilespmem:$0x14000] =	vst v63  }
0x91: {  	_ = 	snop  }
0x92: {  	[tilespmem:s18], [sflag:$0x4] =	stream.indirect_vreg.gather [hbm4b:s3+s2], $0x80, v4, vm0, $0xb8;
	[tilespmem:$0x14000] =	vst v63  }
0x93: {  	_ = 	snop  }
0x94: {  	[tilespmem:s19], [sflag:$0x4] =	stream.indirect_vreg.gather [hbm4b:s6+s2], $0x80, v4, vm0, $0xb8;
	[tilespmem:$0x14000] =	vst v63  }
0x95: {  	_ = 	snop  }
0x96: {  	[tilespmem:s20], [sflag:$0x4] =	stream.indirect_vreg.gather [hbm4b:s7+s2], $0x80, v4, vm0, $0xb8;
	[tilespmem:$0x14000] =	vst v63  }
0x97: {  	p0 =	seq.s32 s1, $0x1E000  }
0x98: {  	[tilespmem:s22], [sflag:$0x4] =	stream.indirect_vreg.gather [hbm4b:s8+s2], $0x80, v4, vm0, $0xb8;
	[tilespmem:$0x14000] =	vst v63  }
.Ltmp2:
0x99: {  	_ =	swait.ge [sflag:s23], $0x4000;
	(pc) =	sbr.rel @!p0 .LBB2_3-.Ltmp2, $4  }
0x9a: {  	[sflag:s23] =	ssyncset.done $0x0  }
0x9b: {  	s4 =	sadd.s32 $0x800, s12;
	[sflag:s23] =	ssyncadd.s32 $0xFFFFC000  }
0x9c: {  	[hbm4b:s4+s2] =	stream.linear.scatter [tilespmem:s21], [sflag:$0x6], $0x4000, $0x38;
	[tilespmem:$0x14000] =	vst v63  }
0x9d: {  	s4 =	sadd.s32 $0x1000, s12  }
.Ltmp3:
0x9e: {  	(pc) =	sbr.rel .LBB2_5-.Ltmp3, $4  }
0x9f: {  	_ =	swait.ge [sflag:s24], $0x4000  }
0xa0: {  	[sflag:s24] =	ssyncset.done $0x0  }
0xa1: {  	[sflag:s24] =	ssyncadd.s32 $0xFFFFC000  }
0xa2: {  	[hbm4b:s4+s2] =	stream.linear.scatter [tilespmem:s30], [sflag:$0x7], $0x4000, $0x38;
	[tilespmem:$0x14000] =	vst v63  }
.LBB2_3:
0xa3: {  	v4 =	vld [tilespmem:s0+$0xFFFFFF00]  }
0xa4: {  	v5 =	vld [tilespmem:s31+$0xFFFFFF00];
	_ =	sdelay $0x3  }
0xa5: {  	vm1 =	vgt.s32 v4, $0x0  }
0xa6: {  	v4 =	vnsel vm1, $0x0, v4;
	vm1 =	vgt.s32 v5, $0x0  }
0xa7: {  	v4 =	vmin.u32 v4, $0xFFF;
	v5 =	vsel vm1, $0x1000, v0  }
0xa8: {  	v5 =	vor.u32 v4, v5  }
0xa9: {  	v6 =	vshll.u32 v5, $0x3  }
0xaa: {  	v4 =	vand.u32 $0x7, v4;
	v6 =	vand.u32 $0xFFC0, v6  }
0xab: {  	v4 =	vor.u32 v4, v6  }
0xac: {  	v6 =	vperm.xlane v4, v1;
	_ =	sdelay $0x1  }
0xad: {  	v6 =	vadd.s32 v2, v6  }
0xae: {  	[tilespmem:s0+$0xFFFFFF00] =	vst v5  }
0xaf: {  	_ =	swait.ge [sflag:s26], $0x4000  }
0xb0: {  	[sflag:s26] =	ssyncset.done $0x0  }
0xb1: {  	[sflag:s26] =	ssyncadd.s32 $0xFFFFC000  }
0xb2: {  	[tilespmem:s13], [sflag:$0x1] =	stream.indirect_vreg.gather [hbm4b:s3+s2], $0x80, v6, vm0, $0xb8;
	[tilespmem:$0x14000] =	vst v63  }
0xb3: {  	s5 =	simm.s32 $0x4800;
	v4 =	vperm.xlane v4, v3  }
0xb4: {  	[tilespmem:s5], [sflag:$0x1] =	stream.indirect_vreg.gather [hbm4b:s6+s2], $0x80, v6, vm0, $0xb8;
	[tilespmem:$0x14000] =	vst v63  }
0xb5: {  	v4 =	vadd.s32 v2, v4;
	s5 =	simm.s32 $0x5000  }
0xb6: {  	[tilespmem:s5], [sflag:$0x1] =	stream.indirect_vreg.gather [hbm4b:s7+s2], $0x80, v6, vm0, $0xb8;
	[tilespmem:$0x14000] =	vst v63  }
0xb7: {  	s5 =	simm.s32 $0x5800  }
0xb8: {  	[tilespmem:s5], [sflag:$0x1] =	stream.indirect_vreg.gather [hbm4b:s8+s2], $0x80, v6, vm0, $0xb8;
	[tilespmem:$0x14000] =	vst v63  }
0xb9: {  	s5 =	simm.s32 $0x6000  }
0xba: {  	[tilespmem:s5], [sflag:$0x1] =	stream.indirect_vreg.gather [hbm4b:s3+s2], $0x80, v4, vm0, $0xb8;
	[tilespmem:$0x14000] =	vst v63  }
0xbb: {  	s5 =	simm.s32 $0x6800  }
0xbc: {  	[tilespmem:s5], [sflag:$0x1] =	stream.indirect_vreg.gather [hbm4b:s6+s2], $0x80, v4, vm0, $0xb8;
	[tilespmem:$0x14000] =	vst v63  }
0xbd: {  	s5 =	simm.s32 $0x7000  }
0xbe: {  	[tilespmem:s5], [sflag:$0x1] =	stream.indirect_vreg.gather [hbm4b:s7+s2], $0x80, v4, vm0, $0xb8;
	[tilespmem:$0x14000] =	vst v63  }
0xbf: {  	s5 =	simm.s32 $0x7800  }
0xc0: {  	[tilespmem:s5], [sflag:$0x1] =	stream.indirect_vreg.gather [hbm4b:s8+s2], $0x80, v4, vm0, $0xb8;
	[tilespmem:$0x14000] =	vst v63  }
0xc1: {  	_ =	swait.ge [sflag:s24], $0x4000  }
0xc2: {  	[sflag:s24] =	ssyncset.done $0x0  }
0xc3: {  	[sflag:s24] =	ssyncadd.s32 $0xFFFFC000  }
0xc4: {  	[hbm4b:s4+s2] =	stream.linear.scatter [tilespmem:s30], [sflag:$0x7], $0x4000, $0x38;
	[tilespmem:$0x14000] =	vst v63  }
0xc5: {  	v4 =	vld [tilespmem:s0+$0xFFFFFF80]  }
0xc6: {  	v5 =	vld [tilespmem:s31+$0xFFFFFF80];
	_ =	sdelay $0x3  }
0xc7: {  	vm1 =	vgt.s32 v4, $0x0  }
0xc8: {  	v4 =	vnsel vm1, $0x0, v4;
	vm1 =	vgt.s32 v5, $0x0  }
0xc9: {  	v4 =	vmin.u32 v4, $0xFFF;
	v5 =	vsel vm1, $0x1000, v0  }
0xca: {  	v5 =	vor.u32 v4, v5  }
0xcb: {  	v63 =	vshll.u32 v5, $0x3  }
0xcc: {  	v4 =	vand.u32 $0x7, v4;
	v6 =	vand.u32 $0xFFC0, v63  }
0xcd: {  	v4 =	vor.u32 v4, v6  }
0xce: {  	v6 =	vperm.xlane v4, v1;
	_ =	sdelay $0x1  }
0xcf: {  	v6 =	vadd.s32 v2, v6  }
0xd0: {  	[tilespmem:s0+$0xFFFFFF80] =	vst v5  }
0xd1: {  	_ =	swait.ge [sflag:s28], $0x4000  }
0xd2: {  	[sflag:s28] =	ssyncset.done $0x0  }
0xd3: {  	[sflag:s28] =	ssyncadd.s32 $0xFFFFC000  }
0xd4: {  	[tilespmem:s21], [sflag:$0x2] =	stream.indirect_vreg.gather [hbm4b:s3+s2], $0x80, v6, vm0, $0xb8;
	[tilespmem:$0x14000] =	vst v63  }
0xd5: {  	s4 =	simm.s32 $0x8800;
	v4 =	vperm.xlane v4, v3  }
0xd6: {  	[tilespmem:s4], [sflag:$0x2] =	stream.indirect_vreg.gather [hbm4b:s6+s2], $0x80, v6, vm0, $0xb8;
	[tilespmem:$0x14000] =	vst v63  }
0xd7: {  	v4 =	vadd.s32 v2, v4;
	s4 =	simm.s32 $0x9000  }
0xd8: {  	[tilespmem:s4], [sflag:$0x2] =	stream.indirect_vreg.gather [hbm4b:s7+s2], $0x80, v6, vm0, $0xb8;
	[tilespmem:$0x14000] =	vst v63  }
0xd9: {  	s4 =	simm.s32 $0x9800  }
0xda: {  	[tilespmem:s4], [sflag:$0x2] =	stream.indirect_vreg.gather [hbm4b:s8+s2], $0x80, v6, vm0, $0xb8;
	[tilespmem:$0x14000] =	vst v63  }
0xdb: {  	s4 =	simm.s32 $0xA000  }
0xdc: {  	[tilespmem:s4], [sflag:$0x2] =	stream.indirect_vreg.gather [hbm4b:s3+s2], $0x80, v4, vm0, $0xb8;
	[tilespmem:$0x14000] =	vst v63  }
0xdd: {  	s4 =	simm.s32 $0xA800  }
0xde: {  	[tilespmem:s4], [sflag:$0x2] =	stream.indirect_vreg.gather [hbm4b:s6+s2], $0x80, v4, vm0, $0xb8;
	[tilespmem:$0x14000] =	vst v63  }
0xdf: {  	s4 =	simm.s32 $0xB000  }
0xe0: {  	[tilespmem:s4], [sflag:$0x2] =	stream.indirect_vreg.gather [hbm4b:s7+s2], $0x80, v4, vm0, $0xb8;
	[tilespmem:$0x14000] =	vst v63  }
0xe1: {  	s5 =	simm.s32 $0xC800;
	s4 =	simm.s32 $0xB800  }
0xe2: {  	[tilespmem:s4], [sflag:$0x2] =	stream.indirect_vreg.gather [hbm4b:s8+s2], $0x80, v4, vm0, $0xb8;
	[tilespmem:$0x14000] =	vst v63  }
.LBB2_5:
.Ltmp4:
0xe3: {  	(pc) =	sbr.rel @p0 .LBB2_7-.Ltmp4, $4  }
0xe4: {  	_ =	swait.ge [sflag:s25], $0x4000  }
0xe5: {  	[sflag:s25] =	ssyncset.done $0x0  }
0xe6: {  	s4 =	sadd.s32 $0x1800, s12;
	[sflag:s25] =	ssyncadd.s32 $0xFFFFC000  }
0xe7: {  	[hbm4b:s4+s2] =	stream.linear.scatter [tilespmem:s14], [sflag:$0x8], $0x4000, $0x38;
	[tilespmem:$0x14000] =	vst v63  }
0xe8: {  	v4 =	vld [tilespmem:s0+$0x0]  }
0xe9: {  	v5 =	vld [tilespmem:s31+$0x0];
	_ =	sdelay $0x3  }
0xea: {  	vm1 =	vgt.s32 v4, $0x0  }
0xeb: {  	v4 =	vnsel vm1, $0x0, v4;
	vm1 =	vgt.s32 v5, $0x0  }
0xec: {  	v4 =	vmin.u32 v4, $0xFFF;
	v5 =	vsel vm1, $0x1000, v0  }
0xed: {  	v5 =	vor.u32 v4, v5  }
0xee: {  	v6 =	vshll.u32 v5, $0x3  }
0xef: {  	v4 =	vand.u32 $0x7, v4;
	v6 =	vand.u32 $0xFFC0, v6  }
0xf0: {  	v4 =	vor.u32 v4, v6  }
0xf1: {  	v6 =	vperm.xlane v4, v1;
	_ =	sdelay $0x1  }
0xf2: {  	v6 =	vadd.s32 v2, v6  }
0xf3: {  	[tilespmem:s0+$0x0] =	vst v5  }
0xf4: {  	_ =	swait.ge [sflag:s29], $0x4000  }
0xf5: {  	[sflag:s29] =	ssyncset.done $0x0  }
0xf6: {  	[sflag:s29] =	ssyncadd.s32 $0xFFFFC000  }
0xf7: {  	[tilespmem:s30], [sflag:$0x3] =	stream.indirect_vreg.gather [hbm4b:s3+s2], $0x80, v6, vm0, $0xb8;
	[tilespmem:$0x14000] =	vst v63  }
0xf8: {  	v4 =	vperm.xlane v4, v3  }
0xf9: {  	[tilespmem:s5], [sflag:$0x3] =	stream.indirect_vreg.gather [hbm4b:s6+s2], $0x80, v6, vm0, $0xb8;
	[tilespmem:$0x14000] =	vst v63  }
0xfa: {  	s4 =	simm.s32 $0xD000;
	v4 =	vadd.s32 v2, v4  }
0xfb: {  	[tilespmem:s4], [sflag:$0x3] =	stream.indirect_vreg.gather [hbm4b:s7+s2], $0x80, v6, vm0, $0xb8;
	[tilespmem:$0x14000] =	vst v63  }
0xfc: {  	s12 =	simm.s32 $0xD800  }
0xfd: {  	[tilespmem:s12], [sflag:$0x3] =	stream.indirect_vreg.gather [hbm4b:s8+s2], $0x80, v6, vm0, $0xb8;
	[tilespmem:$0x14000] =	vst v63  }
0xfe: {  	s12 =	simm.s32 $0xE000  }
0xff: {  	[tilespmem:s12], [sflag:$0x3] =	stream.indirect_vreg.gather [hbm4b:s3+s2], $0x80, v4, vm0, $0xb8;
	[tilespmem:$0x14000] =	vst v63  }
0x100: {  	s12 =	simm.s32 $0xE800  }
0x101: {  	[tilespmem:s12], [sflag:$0x3] =	stream.indirect_vreg.gather [hbm4b:s6+s2], $0x80, v4, vm0, $0xb8;
	[tilespmem:$0x14000] =	vst v63  }
.Ltmp5:
0x102: {  	_ = 	snop;
	(pc) =	sbr.rel .LBB2_2-.Ltmp5, $4  }
0x103: {  	s12 =	simm.s32 $0xF000  }
0x104: {  	[tilespmem:s12], [sflag:$0x3] =	stream.indirect_vreg.gather [hbm4b:s7+s2], $0x80, v4, vm0, $0xb8;
	[tilespmem:$0x14000] =	vst v63  }
0x105: {  	s1 =	sadd.s32 $0x2000, s1;
	s31 =	sadd.s32 $0x200, s31;
	s0 =	sadd.s32 $0x200, s0  }
0x106: {  	[tilespmem:s9], [sflag:$0x3] =	stream.indirect_vreg.gather [hbm4b:s8+s2], $0x80, v4, vm0, $0xb8;
	[tilespmem:$0x14000] =	vst v63  }
.LBB2_8:
0x107: {  	_ =	sfence.sel $0x180000  }
0x108: {  	[bflag:$0x0] =	sbarrier.arrive $0xFFFF  }
0x109: {  	_ =	strace $0x90000047  }
0x10a: {  	s0 =	stileid.u32;
	[bflag:$0x2] =	sbarrier.arrive $0xFFFF  }
0x10b: {  	p0 =	sne.s32 s0, $0x0;
	s0 =	rddreg [dreg:$0x2]  }
0x10c: {  	s0 =	sadd.s32 @!p0 $0x100000, s0  }
0x10d: {  	[sflag:s0] =	ssyncadd.tile.s32 @!p0 $0x1;
	_ =	shalt  }
.Lfunc_end2:
_tile_overlayer_lowered:
.L_overlay_start_2:
0x10e: {  	(tag) =	ssettag $0x2  }
0x10f: {  	s0 =	rddreg [dreg:$0x0];
	s2 =	stileid.u32  }
0x110: {  	s1 =	rddreg [dreg:$0x1];
	p0 =	sne.s32 s2, $0x0  }
0x111: {  	s3 =	rddreg [dreg:$0x2];
	[bflag:$0x3] =	sbarrier.arrive $0xFFFF;
	s2 =	simm.s32 @!p0 $0x1C09  }
0x112: {  	[timem:s3], [sflag:s2] =	dma.local @!p0 [hbm:s0], s1  }
0x113: {  	s0 =	simm.s32 @!p0 $0x9  }
0x114: {  	_ =	swait.ge @!p0 [sflag:s0], s1  }
0x115: {  	s1 =	ssub.s32 @!p0 $0x0, s1;
	[sflag:s0] =	ssyncset.done @!p0 $0x0  }
0x116: {  	[sflag:s0] =	ssyncadd.s32 @!p0 s1  }
0x117: {  	[bflag:$0x3] =	sbarrier.arrive $0xFFFF  }
0x118: {  	_ =	shalt  }

</sc_bundles>
